<compile_context>
chip_gen: v7x
topology: tpu7x:2x2x1
jax: 0.10.2.dev20260603
libtpu: 0.0.44.dev20260713+nightly
codegen_flags: <defaults>
</compile_context>

<pallas_src>
import functools

import jax
import jax.numpy as jnp
from jax import lax
from jax.experimental import pallas as pl
from jax.experimental.pallas import tpu as pltpu
from jax.experimental.pallas import tpu_sc as plsc

NC = 1
NS = 16
NW = NC * NS
B = 16384
D = 20
R = 8
CPT = B // NW
L = 16
NGRP = CPT // L

_mesh = plsc.VectorSubcoreMesh(core_axis_name="c", subcore_axis_name="s", num_cores=1)


@functools.partial(
    pl.kernel,
    mesh=_mesh,
    out_type=jax.ShapeDtypeStruct((B, D), jnp.float32),
    scratch_types=[
        pltpu.VMEM((R, D), jnp.float32),
        pltpu.VMEM((CPT,), jnp.int32),
        pltpu.VMEM((CPT, D), jnp.float32),
        pltpu.SemaphoreType.DMA,
        pltpu.SemaphoreType.DMA,
    ],
    compiler_params=pltpu.CompilerParams(
        use_tc_tiling_on_sc=False,
        needs_layout_passes=False,
        disable_bounds_checks=True,
        disable_semaphore_checks=True,
        skip_device_barrier=True,
    ),
)
def _embed_gather(labels_hbm, table_hbm, out_hbm, table_v, idx_v, out_v, sem_in, sem_out):
    wid = lax.axis_index("s") * NC + lax.axis_index("c")
    base = wid * CPT
    cp_tab = pltpu.async_copy(table_hbm, table_v, sem_in)
    cp_idx = pltpu.async_copy(labels_hbm.at[pl.ds(base, CPT)], idx_v, sem_in)
    cp_tab.wait()

    lanes = lax.iota(jnp.int32, L)
    HALF = NGRP // 2

    cols = [
        plsc.load_gather(table_v, [lanes & 7, jnp.full((L,), j, jnp.int32)])
        for j in range(D)
    ]
    cp_idx.wait()

    def body(g, carry):
        lbls = idx_v[pl.ds(g * L, L)]
        rows = g * L + lanes
        for j in range(D):
            vals = cols[j].at[lbls].get(mode=lax.GatherScatterMode.PROMISE_IN_BOUNDS)
            plsc.store_scatter(out_v, [rows, jnp.full((L,), j, jnp.int32)], vals)
        return carry

    lax.fori_loop(0, HALF, body, 0)
    cp0 = pltpu.async_copy(
        out_v.at[pl.ds(0, CPT // 2)], out_hbm.at[pl.ds(base, CPT // 2)], sem_out
    )
    lax.fori_loop(HALF, NGRP, body, 0)
    cp1 = pltpu.async_copy(
        out_v.at[pl.ds(CPT // 2, CPT // 2)],
        out_hbm.at[pl.ds(base + CPT // 2, CPT // 2)],
        sem_out,
    )
    cp0.wait()
    cp1.wait()


def kernel(labels, table):
    return _embed_gather(labels.astype(jnp.int32), table)

# --- scband reference (transcript-rebuilt; emitter-appended) ---
"""Pipeline reference for scband-genre-74036646249299 (READ-ONLY COPY).

The authoritative reference and input builder live on the scoring server;
editing this copy changes nothing except your own understanding.
"""

import jax, jax.numpy as jnp
import numpy as np


def setup_inputs(seed: int = 0) -> dict:
    key = jax.random.key(seed)
    k1, k2 = jax.random.split(key)
    # labels have already been mapped through g_to_i: values in [0, 8), 0 = padding/unknown
    labels = jax.random.randint(k1, (16384,), 0, 8)
    # nn.Embedding(8, 20, padding_idx=0): row 0 is the padding row (zeros)
    table = jax.random.normal(k2, (8, 20), dtype=jnp.float32)
    table = table.at[0].set(0.0)
    return {"labels": labels, "table": table}


def reference(labels, table):
    # Genre.forward: bin_tensor = g_to_i_lookup(labels); return self.embeds(bin_tensor)
    # The string->index lookup is pure Python bookkeeping; the tensor op is the gather.
    return jnp.take(table, labels, axis=0)

if __name__ == "__main__":
    import jax
    _d = setup_inputs()
    print(jax.jit(kernel)(*tuple(_d.values())))

</pallas_src>

<mosaic_0001>
#map = affine_map<(d0, d1) -> (0)>
#map1 = affine_map<(d0, d1) -> (0, 0)>
module attributes {stable_mosaic.version = 14 : i64} {
  func.func @_embed_gather(%arg0: i32, %arg1: i32, %arg2: memref<16384xi32, #tpu.memory_space<hbm>>, %arg3: memref<8x20xf32, #tpu.memory_space<hbm>>, %arg4: memref<16384x20xf32, #tpu.memory_space<hbm>>, %arg5: memref<8x20xf32, #tpu.memory_space<vmem>>, %arg6: memref<1024xi32, #tpu.memory_space<vmem>>, %arg7: memref<1024x20xf32, #tpu.memory_space<vmem>>, %arg8: memref<!tpu.dma_semaphore, #tpu.memory_space<semaphore_mem>>, %arg9: memref<!tpu.dma_semaphore, #tpu.memory_space<semaphore_mem>>) attributes {dimension_semantics = [#tpu.dimension_semantics<core_parallel>, #tpu.dimension_semantics<subcore_parallel>], iteration_bounds = array<i64: 1, 16>, scalar_prefetch = 0 : i64, scratch_operands = 5 : i64, tpu.core_type = #tpu.core_type<sc_vector_subcore>, window_params = [{transform_indices = #map}, {transform_indices = #map1}, {transform_indices = #map1}]} {
    %mul3A = arith.constant 1 : i32
    %mul3A_0 = arith.muli %arg1, %mul3A : i32
    %add3A = arith.addi %mul3A_0, %arg0 : i32
    %mul3A_1 = arith.constant 1024 : i32
    %mul3A_2 = arith.muli %add3A, %mul3A_1 : i32
    tpu.enqueue_dma source(%arg3 : memref<8x20xf32, #tpu.memory_space<hbm>>) target(%arg5 : memref<8x20xf32, #tpu.memory_space<vmem>>) target_semaphore(%arg8 : memref<!tpu.dma_semaphore, #tpu.memory_space<semaphore_mem>>)
    %dma_start3A = tpu.memref_slice %arg2[%mul3A_2] : memref<16384xi32, #tpu.memory_space<hbm>> -> memref<1024xi32, #tpu.memory_space<hbm>>
    %dma_start3A_3 = tpu.memref_slice %arg2[%mul3A_2] : memref<16384xi32, #tpu.memory_space<hbm>> -> memref<1024xi32, #tpu.memory_space<hbm>>
    tpu.enqueue_dma source(%dma_start3A_3 : memref<1024xi32, #tpu.memory_space<hbm>>) target(%arg6 : memref<1024xi32, #tpu.memory_space<vmem>>) target_semaphore(%arg8 : memref<!tpu.dma_semaphore, #tpu.memory_space<semaphore_mem>>)
    tpu.wait_dma2 semaphore(%arg8 : memref<!tpu.dma_semaphore, #tpu.memory_space<semaphore_mem>>) src(%arg3 : memref<8x20xf32, #tpu.memory_space<hbm>>) dst(%arg5 : memref<8x20xf32, #tpu.memory_space<vmem>>)
    %iota3A = tpu.iota {dimensions = array<i32: 0>} : vector<16xi32>
    %and3A = arith.constant 7 : i32
    %and3A_4 = vector.broadcast %and3A : i32 to vector<16xi32>
    %and3A_5 = arith.andi %iota3A, %and3A_4 : vector<16xi32>
    %broadcast_in_dim3A = arith.constant 0 : i32
    %broadcast_in_dim3A_6 = vector.broadcast %broadcast_in_dim3A : i32 to vector<16xi32>
    %gather3A = tpu.vector_load_idx %arg5[%and3A_5, %broadcast_in_dim3A_6] : memref<8x20xf32, #tpu.memory_space<vmem>>[vector<16xi32>, vector<16xi32>], vector<16xf32>,
    %and3A_7 = arith.constant 7 : i32
    %and3A_8 = vector.broadcast %and3A_7 : i32 to vector<16xi32>
    %and3A_9 = arith.andi %iota3A, %and3A_8 : vector<16xi32>
    %broadcast_in_dim3A_10 = arith.constant 1 : i32
    %broadcast_in_dim3A_11 = vector.broadcast %broadcast_in_dim3A_10 : i32 to vector<16xi32>
    %gather3A_12 = tpu.vector_load_idx %arg5[%and3A_9, %broadcast_in_dim3A_11] : memref<8x20xf32, #tpu.memory_space<vmem>>[vector<16xi32>, vector<16xi32>], vector<16xf32>,
    %and3A_13 = arith.constant 7 : i32
    %and3A_14 = vector.broadcast %and3A_13 : i32 to vector<16xi32>
    %and3A_15 = arith.andi %iota3A, %and3A_14 : vector<16xi32>
    %broadcast_in_dim3A_16 = arith.constant 2 : i32
    %broadcast_in_dim3A_17 = vector.broadcast %broadcast_in_dim3A_16 : i32 to vector<16xi32>
    %gather3A_18 = tpu.vector_load_idx %arg5[%and3A_15, %broadcast_in_dim3A_17] : memref<8x20xf32, #tpu.memory_space<vmem>>[vector<16xi32>, vector<16xi32>], vector<16xf32>,
    %and3A_19 = arith.constant 7 : i32
    %and3A_20 = vector.broadcast %and3A_19 : i32 to vector<16xi32>
    %and3A_21 = arith.andi %iota3A, %and3A_20 : vector<16xi32>
    %broadcast_in_dim3A_22 = arith.constant 3 : i32
    %broadcast_in_dim3A_23 = vector.broadcast %broadcast_in_dim3A_22 : i32 to vector<16xi32>
    %gather3A_24 = tpu.vector_load_idx %arg5[%and3A_21, %broadcast_in_dim3A_23] : memref<8x20xf32, #tpu.memory_space<vmem>>[vector<16xi32>, vector<16xi32>], vector<16xf32>,
    %and3A_25 = arith.constant 7 : i32
    %and3A_26 = vector.broadcast %and3A_25 : i32 to vector<16xi32>
    %and3A_27 = arith.andi %iota3A, %and3A_26 : vector<16xi32>
    %broadcast_in_dim3A_28 = arith.constant 4 : i32
    %broadcast_in_dim3A_29 = vector.broadcast %broadcast_in_dim3A_28 : i32 to vector<16xi32>
    %gather3A_30 = tpu.vector_load_idx %arg5[%and3A_27, %broadcast_in_dim3A_29] : memref<8x20xf32, #tpu.memory_space<vmem>>[vector<16xi32>, vector<16xi32>], vector<16xf32>,
    %and3A_31 = arith.constant 7 : i32
    %and3A_32 = vector.broadcast %and3A_31 : i32 to vector<16xi32>
    %and3A_33 = arith.andi %iota3A, %and3A_32 : vector<16xi32>
    %broadcast_in_dim3A_34 = arith.constant 5 : i32
    %broadcast_in_dim3A_35 = vector.broadcast %broadcast_in_dim3A_34 : i32 to vector<16xi32>
    %gather3A_36 = tpu.vector_load_idx %arg5[%and3A_33, %broadcast_in_dim3A_35] : memref<8x20xf32, #tpu.memory_space<vmem>>[vector<16xi32>, vector<16xi32>], vector<16xf32>,
    %and3A_37 = arith.constant 7 : i32
    %and3A_38 = vector.broadcast %and3A_37 : i32 to vector<16xi32>
    %and3A_39 = arith.andi %iota3A, %and3A_38 : vector<16xi32>
    %broadcast_in_dim3A_40 = arith.constant 6 : i32
    %broadcast_in_dim3A_41 = vector.broadcast %broadcast_in_dim3A_40 : i32 to vector<16xi32>
    %gather3A_42 = tpu.vector_load_idx %arg5[%and3A_39, %broadcast_in_dim3A_41] : memref<8x20xf32, #tpu.memory_space<vmem>>[vector<16xi32>, vector<16xi32>], vector<16xf32>,
    %and3A_43 = arith.constant 7 : i32
    %and3A_44 = vector.broadcast %and3A_43 : i32 to vector<16xi32>
    %and3A_45 = arith.andi %iota3A, %and3A_44 : vector<16xi32>
    %broadcast_in_dim3A_46 = arith.constant 7 : i32
    %broadcast_in_dim3A_47 = vector.broadcast %broadcast_in_dim3A_46 : i32 to vector<16xi32>
    %gather3A_48 = tpu.vector_load_idx %arg5[%and3A_45, %broadcast_in_dim3A_47] : memref<8x20xf32, #tpu.memory_space<vmem>>[vector<16xi32>, vector<16xi32>], vector<16xf32>,
    %and3A_49 = arith.constant 7 : i32
    %and3A_50 = vector.broadcast %and3A_49 : i32 to vector<16xi32>
    %and3A_51 = arith.andi %iota3A, %and3A_50 : vector<16xi32>
    %broadcast_in_dim3A_52 = arith.constant 8 : i32
    %broadcast_in_dim3A_53 = vector.broadcast %broadcast_in_dim3A_52 : i32 to vector<16xi32>
    %gather3A_54 = tpu.vector_load_idx %arg5[%and3A_51, %broadcast_in_dim3A_53] : memref<8x20xf32, #tpu.memory_space<vmem>>[vector<16xi32>, vector<16xi32>], vector<16xf32>,
    %and3A_55 = arith.constant 7 : i32
    %and3A_56 = vector.broadcast %and3A_55 : i32 to vector<16xi32>
    %and3A_57 = arith.andi %iota3A, %and3A_56 : vector<16xi32>
    %broadcast_in_dim3A_58 = arith.constant 9 : i32
    %broadcast_in_dim3A_59 = vector.broadcast %broadcast_in_dim3A_58 : i32 to vector<16xi32>
    %gather3A_60 = tpu.vector_load_idx %arg5[%and3A_57, %broadcast_in_dim3A_59] : memref<8x20xf32, #tpu.memory_space<vmem>>[vector<16xi32>, vector<16xi32>], vector<16xf32>,
    %and3A_61 = arith.constant 7 : i32
    %and3A_62 = vector.broadcast %and3A_61 : i32 to vector<16xi32>
    %and3A_63 = arith.andi %iota3A, %and3A_62 : vector<16xi32>
    %broadcast_in_dim3A_64 = arith.constant 10 : i32
    %broadcast_in_dim3A_65 = vector.broadcast %broadcast_in_dim3A_64 : i32 to vector<16xi32>
    %gather3A_66 = tpu.vector_load_idx %arg5[%and3A_63, %broadcast_in_dim3A_65] : memref<8x20xf32, #tpu.memory_space<vmem>>[vector<16xi32>, vector<16xi32>], vector<16xf32>,
    %and3A_67 = arith.constant 7 : i32
    %and3A_68 = vector.broadcast %and3A_67 : i32 to vector<16xi32>
    %and3A_69 = arith.andi %iota3A, %and3A_68 : vector<16xi32>
    %broadcast_in_dim3A_70 = arith.constant 11 : i32
    %broadcast_in_dim3A_71 = vector.broadcast %broadcast_in_dim3A_70 : i32 to vector<16xi32>
    %gather3A_72 = tpu.vector_load_idx %arg5[%and3A_69, %broadcast_in_dim3A_71] : memref<8x20xf32, #tpu.memory_space<vmem>>[vector<16xi32>, vector<16xi32>], vector<16xf32>,
    %and3A_73 = arith.constant 7 : i32
    %and3A_74 = vector.broadcast %and3A_73 : i32 to vector<16xi32>
    %and3A_75 = arith.andi %iota3A, %and3A_74 : vector<16xi32>
    %broadcast_in_dim3A_76 = arith.constant 12 : i32
    %broadcast_in_dim3A_77 = vector.broadcast %broadcast_in_dim3A_76 : i32 to vector<16xi32>
    %gather3A_78 = tpu.vector_load_idx %arg5[%and3A_75, %broadcast_in_dim3A_77] : memref<8x20xf32, #tpu.memory_space<vmem>>[vector<16xi32>, vector<16xi32>], vector<16xf32>,
    %and3A_79 = arith.constant 7 : i32
    %and3A_80 = vector.broadcast %and3A_79 : i32 to vector<16xi32>
    %and3A_81 = arith.andi %iota3A, %and3A_80 : vector<16xi32>
    %broadcast_in_dim3A_82 = arith.constant 13 : i32
    %broadcast_in_dim3A_83 = vector.broadcast %broadcast_in_dim3A_82 : i32 to vector<16xi32>
    %gather3A_84 = tpu.vector_load_idx %arg5[%and3A_81, %broadcast_in_dim3A_83] : memref<8x20xf32, #tpu.memory_space<vmem>>[vector<16xi32>, vector<16xi32>], vector<16xf32>,
    %and3A_85 = arith.constant 7 : i32
    %and3A_86 = vector.broadcast %and3A_85 : i32 to vector<16xi32>
    %and3A_87 = arith.andi %iota3A, %and3A_86 : vector<16xi32>
    %broadcast_in_dim3A_88 = arith.constant 14 : i32
    %broadcast_in_dim3A_89 = vector.broadcast %broadcast_in_dim3A_88 : i32 to vector<16xi32>
    %gather3A_90 = tpu.vector_load_idx %arg5[%and3A_87, %broadcast_in_dim3A_89] : memref<8x20xf32, #tpu.memory_space<vmem>>[vector<16xi32>, vector<16xi32>], vector<16xf32>,
    %and3A_91 = arith.constant 7 : i32
    %and3A_92 = vector.broadcast %and3A_91 : i32 to vector<16xi32>
    %and3A_93 = arith.andi %iota3A, %and3A_92 : vector<16xi32>
    %broadcast_in_dim3A_94 = arith.constant 15 : i32
    %broadcast_in_dim3A_95 = vector.broadcast %broadcast_in_dim3A_94 : i32 to vector<16xi32>
    %gather3A_96 = tpu.vector_load_idx %arg5[%and3A_93, %broadcast_in_dim3A_95] : memref<8x20xf32, #tpu.memory_space<vmem>>[vector<16xi32>, vector<16xi32>], vector<16xf32>,
    %and3A_97 = arith.constant 7 : i32
    %and3A_98 = vector.broadcast %and3A_97 : i32 to vector<16xi32>
    %and3A_99 = arith.andi %iota3A, %and3A_98 : vector<16xi32>
    %broadcast_in_dim3A_100 = arith.constant 16 : i32
    %broadcast_in_dim3A_101 = vector.broadcast %broadcast_in_dim3A_100 : i32 to vector<16xi32>
    %gather3A_102 = tpu.vector_load_idx %arg5[%and3A_99, %broadcast_in_dim3A_101] : memref<8x20xf32, #tpu.memory_space<vmem>>[vector<16xi32>, vector<16xi32>], vector<16xf32>,
    %and3A_103 = arith.constant 7 : i32
    %and3A_104 = vector.broadcast %and3A_103 : i32 to vector<16xi32>
    %and3A_105 = arith.andi %iota3A, %and3A_104 : vector<16xi32>
    %broadcast_in_dim3A_106 = arith.constant 17 : i32
    %broadcast_in_dim3A_107 = vector.broadcast %broadcast_in_dim3A_106 : i32 to vector<16xi32>
    %gather3A_108 = tpu.vector_load_idx %arg5[%and3A_105, %broadcast_in_dim3A_107] : memref<8x20xf32, #tpu.memory_space<vmem>>[vector<16xi32>, vector<16xi32>], vector<16xf32>,
    %and3A_109 = arith.constant 7 : i32
    %and3A_110 = vector.broadcast %and3A_109 : i32 to vector<16xi32>
    %and3A_111 = arith.andi %iota3A, %and3A_110 : vector<16xi32>
    %broadcast_in_dim3A_112 = arith.constant 18 : i32
    %broadcast_in_dim3A_113 = vector.broadcast %broadcast_in_dim3A_112 : i32 to vector<16xi32>
    %gather3A_114 = tpu.vector_load_idx %arg5[%and3A_111, %broadcast_in_dim3A_113] : memref<8x20xf32, #tpu.memory_space<vmem>>[vector<16xi32>, vector<16xi32>], vector<16xf32>,
    %and3A_115 = arith.constant 7 : i32
    %and3A_116 = vector.broadcast %and3A_115 : i32 to vector<16xi32>
    %and3A_117 = arith.andi %iota3A, %and3A_116 : vector<16xi32>
    %broadcast_in_dim3A_118 = arith.constant 19 : i32
    %broadcast_in_dim3A_119 = vector.broadcast %broadcast_in_dim3A_118 : i32 to vector<16xi32>
    %gather3A_120 = tpu.vector_load_idx %arg5[%and3A_117, %broadcast_in_dim3A_119] : memref<8x20xf32, #tpu.memory_space<vmem>>[vector<16xi32>, vector<16xi32>], vector<16xf32>,
    %dma_wait3A = tpu.memref_slice %arg2[%mul3A_2] : memref<16384xi32, #tpu.memory_space<hbm>> -> memref<1024xi32, #tpu.memory_space<hbm>>
    %dma_wait3A_121 = tpu.memref_slice %arg2[%mul3A_2] : memref<16384xi32, #tpu.memory_space<hbm>> -> memref<1024xi32, #tpu.memory_space<hbm>>
    tpu.wait_dma2 semaphore(%arg8 : memref<!tpu.dma_semaphore, #tpu.memory_space<semaphore_mem>>) src(%dma_wait3A_121 : memref<1024xi32, #tpu.memory_space<hbm>>) dst(%arg6 : memref<1024xi32, #tpu.memory_space<vmem>>)
    %scan3A = arith.constant 0 : i32
    %scan3A_122 = arith.constant 0 : i32
    %scan3A_123 = arith.constant 32 : i32
    %scan3A_124 = arith.addi %scan3A_122, %scan3A_123 : i32
    %scan3A_125 = arith.constant 1 : i32
    scf.for %scan3A_175 = %scan3A_122 to %scan3A_124 step %scan3A_125  : i32 {
      %mul3A_176 = arith.constant 16 : i32
      %mul3A_177 = arith.muli %scan3A_175, %mul3A_176 : i32
      %get3A = arith.index_cast %mul3A_177 : i32 to index
      %get3A_178 = tpu.vector_load %arg6[%get3A] {strides = array<i32>} : memref<1024xi32, #tpu.memory_space<vmem>>, vector<16xi32>,
      %mul3A_179 = arith.constant 16 : i32
      %mul3A_180 = arith.muli %scan3A_175, %mul3A_179 : i32
      %add3A_181 = vector.broadcast %mul3A_180 : i32 to vector<16xi32>
      %add3A_182 = arith.addi %add3A_181, %iota3A : vector<16xi32>
      %lt3A = arith.constant 0 : i32
      %lt3A_183 = vector.broadcast %lt3A : i32 to vector<16xi32>
      %lt3A_184 = arith.cmpi slt, %get3A_178, %lt3A_183 : vector<16xi32>
      %add3A_185 = arith.constant 16 : i32
      %add3A_186 = vector.broadcast %add3A_185 : i32 to vector<16xi32>
      %add3A_187 = arith.addi %get3A_178, %add3A_186 : vector<16xi32>
      %select_n3A = arith.select %lt3A_184, %add3A_187, %get3A_178 : vector<16xi1>, vector<16xi32>
      %broadcast_in_dim3A_188 = vector.shape_cast %select_n3A : vector<16xi32> to vector<16x1xi32>
      %gather3A_189 = vector.shape_cast %broadcast_in_dim3A_188 : vector<16x1xi32> to vector<16xi32>
      %gather3A_190 = tpu.dynamic_gather %gather3A[%gather3A_189] in [0] : vector<16xf32>, vector<16xi32> -> vector<16xf32>
      %broadcast_in_dim3A_191 = arith.constant 0 : i32
      %broadcast_in_dim3A_192 = vector.broadcast %broadcast_in_dim3A_191 : i32 to vector<16xi32>
      tpu.vector_store_idx %arg7[%add3A_182, %broadcast_in_dim3A_192], %gather3A_190 : memref<1024x20xf32, #tpu.memory_space<vmem>>[vector<16xi32>, vector<16xi32>], vector<16xf32>,
      %lt3A_193 = arith.constant 0 : i32
      %lt3A_194 = vector.broadcast %lt3A_193 : i32 to vector<16xi32>
      %lt3A_195 = arith.cmpi slt, %get3A_178, %lt3A_194 : vector<16xi32>
      %add3A_196 = arith.constant 16 : i32
      %add3A_197 = vector.broadcast %add3A_196 : i32 to vector<16xi32>
      %add3A_198 = arith.addi %get3A_178, %add3A_197 : vector<16xi32>
      %select_n3A_199 = arith.select %lt3A_195, %add3A_198, %get3A_178 : vector<16xi1>, vector<16xi32>
      %broadcast_in_dim3A_200 = vector.shape_cast %select_n3A_199 : vector<16xi32> to vector<16x1xi32>
      %gather3A_201 = vector.shape_cast %broadcast_in_dim3A_200 : vector<16x1xi32> to vector<16xi32>
      %gather3A_202 = tpu.dynamic_gather %gather3A_12[%gather3A_201] in [0] : vector<16xf32>, vector<16xi32> -> vector<16xf32>
      %broadcast_in_dim3A_203 = arith.constant 1 : i32
      %broadcast_in_dim3A_204 = vector.broadcast %broadcast_in_dim3A_203 : i32 to vector<16xi32>
      tpu.vector_store_idx %arg7[%add3A_182, %broadcast_in_dim3A_204], %gather3A_202 : memref<1024x20xf32, #tpu.memory_space<vmem>>[vector<16xi32>, vector<16xi32>], vector<16xf32>,
      %lt3A_205 = arith.constant 0 : i32
      %lt3A_206 = vector.broadcast %lt3A_205 : i32 to vector<16xi32>
      %lt3A_207 = arith.cmpi slt, %get3A_178, %lt3A_206 : vector<16xi32>
      %add3A_208 = arith.constant 16 : i32
      %add3A_209 = vector.broadcast %add3A_208 : i32 to vector<16xi32>
      %add3A_210 = arith.addi %get3A_178, %add3A_209 : vector<16xi32>
      %select_n3A_211 = arith.select %lt3A_207, %add3A_210, %get3A_178 : vector<16xi1>, vector<16xi32>
      %broadcast_in_dim3A_212 = vector.shape_cast %select_n3A_211 : vector<16xi32> to vector<16x1xi32>
      %gather3A_213 = vector.shape_cast %broadcast_in_dim3A_212 : vector<16x1xi32> to vector<16xi32>
      %gather3A_214 = tpu.dynamic_gather %gather3A_18[%gather3A_213] in [0] : vector<16xf32>, vector<16xi32> -> vector<16xf32>
      %broadcast_in_dim3A_215 = arith.constant 2 : i32
      %broadcast_in_dim3A_216 = vector.broadcast %broadcast_in_dim3A_215 : i32 to vector<16xi32>
      tpu.vector_store_idx %arg7[%add3A_182, %broadcast_in_dim3A_216], %gather3A_214 : memref<1024x20xf32, #tpu.memory_space<vmem>>[vector<16xi32>, vector<16xi32>], vector<16xf32>,
      %lt3A_217 = arith.constant 0 : i32
      %lt3A_218 = vector.broadcast %lt3A_217 : i32 to vector<16xi32>
      %lt3A_219 = arith.cmpi slt, %get3A_178, %lt3A_218 : vector<16xi32>
      %add3A_220 = arith.constant 16 : i32
      %add3A_221 = vector.broadcast %add3A_220 : i32 to vector<16xi32>
      %add3A_222 = arith.addi %get3A_178, %add3A_221 : vector<16xi32>
      %select_n3A_223 = arith.select %lt3A_219, %add3A_222, %get3A_178 : vector<16xi1>, vector<16xi32>
      %broadcast_in_dim3A_224 = vector.shape_cast %select_n3A_223 : vector<16xi32> to vector<16x1xi32>
      %gather3A_225 = vector.shape_cast %broadcast_in_dim3A_224 : vector<16x1xi32> to vector<16xi32>
      %gather3A_226 = tpu.dynamic_gather %gather3A_24[%gather3A_225] in [0] : vector<16xf32>, vector<16xi32> -> vector<16xf32>
      %broadcast_in_dim3A_227 = arith.constant 3 : i32
      %broadcast_in_dim3A_228 = vector.broadcast %broadcast_in_dim3A_227 : i32 to vector<16xi32>
      tpu.vector_store_idx %arg7[%add3A_182, %broadcast_in_dim3A_228], %gather3A_226 : memref<1024x20xf32, #tpu.memory_space<vmem>>[vector<16xi32>, vector<16xi32>], vector<16xf32>,
      %lt3A_229 = arith.constant 0 : i32
      %lt3A_230 = vector.broadcast %lt3A_229 : i32 to vector<16xi32>
      %lt3A_231 = arith.cmpi slt, %get3A_178, %lt3A_230 : vector<16xi32>
      %add3A_232 = arith.constant 16 : i32
      %add3A_233 = vector.broadcast %add3A_232 : i32 to vector<16xi32>
      %add3A_234 = arith.addi %get3A_178, %add3A_233 : vector<16xi32>
      %select_n3A_235 = arith.select %lt3A_231, %add3A_234, %get3A_178 : vector<16xi1>, vector<16xi32>
      %broadcast_in_dim3A_236 = vector.shape_cast %select_n3A_235 : vector<16xi32> to vector<16x1xi32>
      %gather3A_237 = vector.shape_cast %broadcast_in_dim3A_236 : vector<16x1xi32> to vector<16xi32>
      %gather3A_238 = tpu.dynamic_gather %gather3A_30[%gather3A_237] in [0] : vector<16xf32>, vector<16xi32> -> vector<16xf32>
      %broadcast_in_dim3A_239 = arith.constant 4 : i32
      %broadcast_in_dim3A_240 = vector.broadcast %broadcast_in_dim3A_239 : i32 to vector<16xi32>
      tpu.vector_store_idx %arg7[%add3A_182, %broadcast_in_dim3A_240], %gather3A_238 : memref<1024x20xf32, #tpu.memory_space<vmem>>[vector<16xi32>, vector<16xi32>], vector<16xf32>,
      %lt3A_241 = arith.constant 0 : i32
      %lt3A_242 = vector.broadcast %lt3A_241 : i32 to vector<16xi32>
      %lt3A_243 = arith.cmpi slt, %get3A_178, %lt3A_242 : vector<16xi32>
      %add3A_244 = arith.constant 16 : i32
      %add3A_245 = vector.broadcast %add3A_244 : i32 to vector<16xi32>
      %add3A_246 = arith.addi %get3A_178, %add3A_245 : vector<16xi32>
      %select_n3A_247 = arith.select %lt3A_243, %add3A_246, %get3A_178 : vector<16xi1>, vector<16xi32>
      %broadcast_in_dim3A_248 = vector.shape_cast %select_n3A_247 : vector<16xi32> to vector<16x1xi32>
      %gather3A_249 = vector.shape_cast %broadcast_in_dim3A_248 : vector<16x1xi32> to vector<16xi32>
      %gather3A_250 = tpu.dynamic_gather %gather3A_36[%gather3A_249] in [0] : vector<16xf32>, vector<16xi32> -> vector<16xf32>
      %broadcast_in_dim3A_251 = arith.constant 5 : i32
      %broadcast_in_dim3A_252 = vector.broadcast %broadcast_in_dim3A_251 : i32 to vector<16xi32>
      tpu.vector_store_idx %arg7[%add3A_182, %broadcast_in_dim3A_252], %gather3A_250 : memref<1024x20xf32, #tpu.memory_space<vmem>>[vector<16xi32>, vector<16xi32>], vector<16xf32>,
      %lt3A_253 = arith.constant 0 : i32
      %lt3A_254 = vector.broadcast %lt3A_253 : i32 to vector<16xi32>
      %lt3A_255 = arith.cmpi slt, %get3A_178, %lt3A_254 : vector<16xi32>
      %add3A_256 = arith.constant 16 : i32
      %add3A_257 = vector.broadcast %add3A_256 : i32 to vector<16xi32>
      %add3A_258 = arith.addi %get3A_178, %add3A_257 : vector<16xi32>
      %select_n3A_259 = arith.select %lt3A_255, %add3A_258, %get3A_178 : vector<16xi1>, vector<16xi32>
      %broadcast_in_dim3A_260 = vector.shape_cast %select_n3A_259 : vector<16xi32> to vector<16x1xi32>
      %gather3A_261 = vector.shape_cast %broadcast_in_dim3A_260 : vector<16x1xi32> to vector<16xi32>
      %gather3A_262 = tpu.dynamic_gather %gather3A_42[%gather3A_261] in [0] : vector<16xf32>, vector<16xi32> -> vector<16xf32>
      %broadcast_in_dim3A_263 = arith.constant 6 : i32
      %broadcast_in_dim3A_264 = vector.broadcast %broadcast_in_dim3A_263 : i32 to vector<16xi32>
      tpu.vector_store_idx %arg7[%add3A_182, %broadcast_in_dim3A_264], %gather3A_262 : memref<1024x20xf32, #tpu.memory_space<vmem>>[vector<16xi32>, vector<16xi32>], vector<16xf32>,
      %lt3A_265 = arith.constant 0 : i32
      %lt3A_266 = vector.broadcast %lt3A_265 : i32 to vector<16xi32>
      %lt3A_267 = arith.cmpi slt, %get3A_178, %lt3A_266 : vector<16xi32>
      %add3A_268 = arith.constant 16 : i32
      %add3A_269 = vector.broadcast %add3A_268 : i32 to vector<16xi32>
      %add3A_270 = arith.addi %get3A_178, %add3A_269 : vector<16xi32>
      %select_n3A_271 = arith.select %lt3A_267, %add3A_270, %get3A_178 : vector<16xi1>, vector<16xi32>
      %broadcast_in_dim3A_272 = vector.shape_cast %select_n3A_271 : vector<16xi32> to vector<16x1xi32>
      %gather3A_273 = vector.shape_cast %broadcast_in_dim3A_272 : vector<16x1xi32> to vector<16xi32>
      %gather3A_274 = tpu.dynamic_gather %gather3A_48[%gather3A_273] in [0] : vector<16xf32>, vector<16xi32> -> vector<16xf32>
      %broadcast_in_dim3A_275 = arith.constant 7 : i32
      %broadcast_in_dim3A_276 = vector.broadcast %broadcast_in_dim3A_275 : i32 to vector<16xi32>
      tpu.vector_store_idx %arg7[%add3A_182, %broadcast_in_dim3A_276], %gather3A_274 : memref<1024x20xf32, #tpu.memory_space<vmem>>[vector<16xi32>, vector<16xi32>], vector<16xf32>,
      %lt3A_277 = arith.constant 0 : i32
      %lt3A_278 = vector.broadcast %lt3A_277 : i32 to vector<16xi32>
      %lt3A_279 = arith.cmpi slt, %get3A_178, %lt3A_278 : vector<16xi32>
      %add3A_280 = arith.constant 16 : i32
      %add3A_281 = vector.broadcast %add3A_280 : i32 to vector<16xi32>
      %add3A_282 = arith.addi %get3A_178, %add3A_281 : vector<16xi32>
      %select_n3A_283 = arith.select %lt3A_279, %add3A_282, %get3A_178 : vector<16xi1>, vector<16xi32>
      %broadcast_in_dim3A_284 = vector.shape_cast %select_n3A_283 : vector<16xi32> to vector<16x1xi32>
      %gather3A_285 = vector.shape_cast %broadcast_in_dim3A_284 : vector<16x1xi32> to vector<16xi32>
      %gather3A_286 = tpu.dynamic_gather %gather3A_54[%gather3A_285] in [0] : vector<16xf32>, vector<16xi32> -> vector<16xf32>
      %broadcast_in_dim3A_287 = arith.constant 8 : i32
      %broadcast_in_dim3A_288 = vector.broadcast %broadcast_in_dim3A_287 : i32 to vector<16xi32>
      tpu.vector_store_idx %arg7[%add3A_182, %broadcast_in_dim3A_288], %gather3A_286 : memref<1024x20xf32, #tpu.memory_space<vmem>>[vector<16xi32>, vector<16xi32>], vector<16xf32>,
      %lt3A_289 = arith.constant 0 : i32
      %lt3A_290 = vector.broadcast %lt3A_289 : i32 to vector<16xi32>
      %lt3A_291 = arith.cmpi slt, %get3A_178, %lt3A_290 : vector<16xi32>
      %add3A_292 = arith.constant 16 : i32
      %add3A_293 = vector.broadcast %add3A_292 : i32 to vector<16xi32>
      %add3A_294 = arith.addi %get3A_178, %add3A_293 : vector<16xi32>
      %select_n3A_295 = arith.select %lt3A_291, %add3A_294, %get3A_178 : vector<16xi1>, vector<16xi32>
      %broadcast_in_dim3A_296 = vector.shape_cast %select_n3A_295 : vector<16xi32> to vector<16x1xi32>
      %gather3A_297 = vector.shape_cast %broadcast_in_dim3A_296 : vector<16x1xi32> to vector<16xi32>
      %gather3A_298 = tpu.dynamic_gather %gather3A_60[%gather3A_297] in [0] : vector<16xf32>, vector<16xi32> -> vector<16xf32>
      %broadcast_in_dim3A_299 = arith.constant 9 : i32
      %broadcast_in_dim3A_300 = vector.broadcast %broadcast_in_dim3A_299 : i32 to vector<16xi32>
      tpu.vector_store_idx %arg7[%add3A_182, %broadcast_in_dim3A_300], %gather3A_298 : memref<1024x20xf32, #tpu.memory_space<vmem>>[vector<16xi32>, vector<16xi32>], vector<16xf32>,
      %lt3A_301 = arith.constant 0 : i32
      %lt3A_302 = vector.broadcast %lt3A_301 : i32 to vector<16xi32>
      %lt3A_303 = arith.cmpi slt, %get3A_178, %lt3A_302 : vector<16xi32>
      %add3A_304 = arith.constant 16 : i32
      %add3A_305 = vector.broadcast %add3A_304 : i32 to vector<16xi32>
      %add3A_306 = arith.addi %get3A_178, %add3A_305 : vector<16xi32>
      %select_n3A_307 = arith.select %lt3A_303, %add3A_306, %get3A_178 : vector<16xi1>, vector<16xi32>
      %broadcast_in_dim3A_308 = vector.shape_cast %select_n3A_307 : vector<16xi32> to vector<16x1xi32>
      %gather3A_309 = vector.shape_cast %broadcast_in_dim3A_308 : vector<16x1xi32> to vector<16xi32>
      %gather3A_310 = tpu.dynamic_gather %gather3A_66[%gather3A_309] in [0] : vector<16xf32>, vector<16xi32> -> vector<16xf32>
      %broadcast_in_dim3A_311 = arith.constant 10 : i32
      %broadcast_in_dim3A_312 = vector.broadcast %broadcast_in_dim3A_311 : i32 to vector<16xi32>
      tpu.vector_store_idx %arg7[%add3A_182, %broadcast_in_dim3A_312], %gather3A_310 : memref<1024x20xf32, #tpu.memory_space<vmem>>[vector<16xi32>, vector<16xi32>], vector<16xf32>,
      %lt3A_313 = arith.constant 0 : i32
      %lt3A_314 = vector.broadcast %lt3A_313 : i32 to vector<16xi32>
      %lt3A_315 = arith.cmpi slt, %get3A_178, %lt3A_314 : vector<16xi32>
      %add3A_316 = arith.constant 16 : i32
      %add3A_317 = vector.broadcast %add3A_316 : i32 to vector<16xi32>
      %add3A_318 = arith.addi %get3A_178, %add3A_317 : vector<16xi32>
      %select_n3A_319 = arith.select %lt3A_315, %add3A_318, %get3A_178 : vector<16xi1>, vector<16xi32>
      %broadcast_in_dim3A_320 = vector.shape_cast %select_n3A_319 : vector<16xi32> to vector<16x1xi32>
      %gather3A_321 = vector.shape_cast %broadcast_in_dim3A_320 : vector<16x1xi32> to vector<16xi32>
      %gather3A_322 = tpu.dynamic_gather %gather3A_72[%gather3A_321] in [0] : vector<16xf32>, vector<16xi32> -> vector<16xf32>
      %broadcast_in_dim3A_323 = arith.constant 11 : i32
      %broadcast_in_dim3A_324 = vector.broadcast %broadcast_in_dim3A_323 : i32 to vector<16xi32>
      tpu.vector_store_idx %arg7[%add3A_182, %broadcast_in_dim3A_324], %gather3A_322 : memref<1024x20xf32, #tpu.memory_space<vmem>>[vector<16xi32>, vector<16xi32>], vector<16xf32>,
      %lt3A_325 = arith.constant 0 : i32
      %lt3A_326 = vector.broadcast %lt3A_325 : i32 to vector<16xi32>
      %lt3A_327 = arith.cmpi slt, %get3A_178, %lt3A_326 : vector<16xi32>
      %add3A_328 = arith.constant 16 : i32
      %add3A_329 = vector.broadcast %add3A_328 : i32 to vector<16xi32>
      %add3A_330 = arith.addi %get3A_178, %add3A_329 : vector<16xi32>
      %select_n3A_331 = arith.select %lt3A_327, %add3A_330, %get3A_178 : vector<16xi1>, vector<16xi32>
      %broadcast_in_dim3A_332 = vector.shape_cast %select_n3A_331 : vector<16xi32> to vector<16x1xi32>
      %gather3A_333 = vector.shape_cast %broadcast_in_dim3A_332 : vector<16x1xi32> to vector<16xi32>
      %gather3A_334 = tpu.dynamic_gather %gather3A_78[%gather3A_333] in [0] : vector<16xf32>, vector<16xi32> -> vector<16xf32>
      %broadcast_in_dim3A_335 = arith.constant 12 : i32
      %broadcast_in_dim3A_336 = vector.broadcast %broadcast_in_dim3A_335 : i32 to vector<16xi32>
      tpu.vector_store_idx %arg7[%add3A_182, %broadcast_in_dim3A_336], %gather3A_334 : memref<1024x20xf32, #tpu.memory_space<vmem>>[vector<16xi32>, vector<16xi32>], vector<16xf32>,
      %lt3A_337 = arith.constant 0 : i32
      %lt3A_338 = vector.broadcast %lt3A_337 : i32 to vector<16xi32>
      %lt3A_339 = arith.cmpi slt, %get3A_178, %lt3A_338 : vector<16xi32>
      %add3A_340 = arith.constant 16 : i32
      %add3A_341 = vector.broadcast %add3A_340 : i32 to vector<16xi32>
      %add3A_342 = arith.addi %get3A_178, %add3A_341 : vector<16xi32>
      %select_n3A_343 = arith.select %lt3A_339, %add3A_342, %get3A_178 : vector<16xi1>, vector<16xi32>
      %broadcast_in_dim3A_344 = vector.shape_cast %select_n3A_343 : vector<16xi32> to vector<16x1xi32>
      %gather3A_345 = vector.shape_cast %broadcast_in_dim3A_344 : vector<16x1xi32> to vector<16xi32>
      %gather3A_346 = tpu.dynamic_gather %gather3A_84[%gather3A_345] in [0] : vector<16xf32>, vector<16xi32> -> vector<16xf32>
      %broadcast_in_dim3A_347 = arith.constant 13 : i32
      %broadcast_in_dim3A_348 = vector.broadcast %broadcast_in_dim3A_347 : i32 to vector<16xi32>
      tpu.vector_store_idx %arg7[%add3A_182, %broadcast_in_dim3A_348], %gather3A_346 : memref<1024x20xf32, #tpu.memory_space<vmem>>[vector<16xi32>, vector<16xi32>], vector<16xf32>,
      %lt3A_349 = arith.constant 0 : i32
      %lt3A_350 = vector.broadcast %lt3A_349 : i32 to vector<16xi32>
      %lt3A_351 = arith.cmpi slt, %get3A_178, %lt3A_350 : vector<16xi32>
      %add3A_352 = arith.constant 16 : i32
      %add3A_353 = vector.broadcast %add3A_352 : i32 to vector<16xi32>
      %add3A_354 = arith.addi %get3A_178, %add3A_353 : vector<16xi32>
      %select_n3A_355 = arith.select %lt3A_351, %add3A_354, %get3A_178 : vector<16xi1>, vector<16xi32>
      %broadcast_in_dim3A_356 = vector.shape_cast %select_n3A_355 : vector<16xi32> to vector<16x1xi32>
      %gather3A_357 = vector.shape_cast %broadcast_in_dim3A_356 : vector<16x1xi32> to vector<16xi32>
      %gather3A_358 = tpu.dynamic_gather %gather3A_90[%gather3A_357] in [0] : vector<16xf32>, vector<16xi32> -> vector<16xf32>
      %broadcast_in_dim3A_359 = arith.constant 14 : i32
      %broadcast_in_dim3A_360 = vector.broadcast %broadcast_in_dim3A_359 : i32 to vector<16xi32>
      tpu.vector_store_idx %arg7[%add3A_182, %broadcast_in_dim3A_360], %gather3A_358 : memref<1024x20xf32, #tpu.memory_space<vmem>>[vector<16xi32>, vector<16xi32>], vector<16xf32>,
      %lt3A_361 = arith.constant 0 : i32
      %lt3A_362 = vector.broadcast %lt3A_361 : i32 to vector<16xi32>
      %lt3A_363 = arith.cmpi slt, %get3A_178, %lt3A_362 : vector<16xi32>
      %add3A_364 = arith.constant 16 : i32
      %add3A_365 = vector.broadcast %add3A_364 : i32 to vector<16xi32>
      %add3A_366 = arith.addi %get3A_178, %add3A_365 : vector<16xi32>
      %select_n3A_367 = arith.select %lt3A_363, %add3A_366, %get3A_178 : vector<16xi1>, vector<16xi32>
      %broadcast_in_dim3A_368 = vector.shape_cast %select_n3A_367 : vector<16xi32> to vector<16x1xi32>
      %gather3A_369 = vector.shape_cast %broadcast_in_dim3A_368 : vector<16x1xi32> to vector<16xi32>
      %gather3A_370 = tpu.dynamic_gather %gather3A_96[%gather3A_369] in [0] : vector<16xf32>, vector<16xi32> -> vector<16xf32>
      %broadcast_in_dim3A_371 = arith.constant 15 : i32
      %broadcast_in_dim3A_372 = vector.broadcast %broadcast_in_dim3A_371 : i32 to vector<16xi32>
      tpu.vector_store_idx %arg7[%add3A_182, %broadcast_in_dim3A_372], %gather3A_370 : memref<1024x20xf32, #tpu.memory_space<vmem>>[vector<16xi32>, vector<16xi32>], vector<16xf32>,
      %lt3A_373 = arith.constant 0 : i32
      %lt3A_374 = vector.broadcast %lt3A_373 : i32 to vector<16xi32>
      %lt3A_375 = arith.cmpi slt, %get3A_178, %lt3A_374 : vector<16xi32>
      %add3A_376 = arith.constant 16 : i32
      %add3A_377 = vector.broadcast %add3A_376 : i32 to vector<16xi32>
      %add3A_378 = arith.addi %get3A_178, %add3A_377 : vector<16xi32>
      %select_n3A_379 = arith.select %lt3A_375, %add3A_378, %get3A_178 : vector<16xi1>, vector<16xi32>
      %broadcast_in_dim3A_380 = vector.shape_cast %select_n3A_379 : vector<16xi32> to vector<16x1xi32>
      %gather3A_381 = vector.shape_cast %broadcast_in_dim3A_380 : vector<16x1xi32> to vector<16xi32>
      %gather3A_382 = tpu.dynamic_gather %gather3A_102[%gather3A_381] in [0] : vector<16xf32>, vector<16xi32> -> vector<16xf32>
      %broadcast_in_dim3A_383 = arith.constant 16 : i32
      %broadcast_in_dim3A_384 = vector.broadcast %broadcast_in_dim3A_383 : i32 to vector<16xi32>
      tpu.vector_store_idx %arg7[%add3A_182, %broadcast_in_dim3A_384], %gather3A_382 : memref<1024x20xf32, #tpu.memory_space<vmem>>[vector<16xi32>, vector<16xi32>], vector<16xf32>,
      %lt3A_385 = arith.constant 0 : i32
      %lt3A_386 = vector.broadcast %lt3A_385 : i32 to vector<16xi32>
      %lt3A_387 = arith.cmpi slt, %get3A_178, %lt3A_386 : vector<16xi32>
      %add3A_388 = arith.constant 16 : i32
      %add3A_389 = vector.broadcast %add3A_388 : i32 to vector<16xi32>
      %add3A_390 = arith.addi %get3A_178, %add3A_389 : vector<16xi32>
      %select_n3A_391 = arith.select %lt3A_387, %add3A_390, %get3A_178 : vector<16xi1>, vector<16xi32>
      %broadcast_in_dim3A_392 = vector.shape_cast %select_n3A_391 : vector<16xi32> to vector<16x1xi32>
      %gather3A_393 = vector.shape_cast %broadcast_in_dim3A_392 : vector<16x1xi32> to vector<16xi32>
      %gather3A_394 = tpu.dynamic_gather %gather3A_108[%gather3A_393] in [0] : vector<16xf32>, vector<16xi32> -> vector<16xf32>
      %broadcast_in_dim3A_395 = arith.constant 17 : i32
      %broadcast_in_dim3A_396 = vector.broadcast %broadcast_in_dim3A_395 : i32 to vector<16xi32>
      tpu.vector_store_idx %arg7[%add3A_182, %broadcast_in_dim3A_396], %gather3A_394 : memref<1024x20xf32, #tpu.memory_space<vmem>>[vector<16xi32>, vector<16xi32>], vector<16xf32>,
      %lt3A_397 = arith.constant 0 : i32
      %lt3A_398 = vector.broadcast %lt3A_397 : i32 to vector<16xi32>
      %lt3A_399 = arith.cmpi slt, %get3A_178, %lt3A_398 : vector<16xi32>
      %add3A_400 = arith.constant 16 : i32
      %add3A_401 = vector.broadcast %add3A_400 : i32 to vector<16xi32>
      %add3A_402 = arith.addi %get3A_178, %add3A_401 : vector<16xi32>
      %select_n3A_403 = arith.select %lt3A_399, %add3A_402, %get3A_178 : vector<16xi1>, vector<16xi32>
      %broadcast_in_dim3A_404 = vector.shape_cast %select_n3A_403 : vector<16xi32> to vector<16x1xi32>
      %gather3A_405 = vector.shape_cast %broadcast_in_dim3A_404 : vector<16x1xi32> to vector<16xi32>
      %gather3A_406 = tpu.dynamic_gather %gather3A_114[%gather3A_405] in [0] : vector<16xf32>, vector<16xi32> -> vector<16xf32>
      %broadcast_in_dim3A_407 = arith.constant 18 : i32
      %broadcast_in_dim3A_408 = vector.broadcast %broadcast_in_dim3A_407 : i32 to vector<16xi32>
      tpu.vector_store_idx %arg7[%add3A_182, %broadcast_in_dim3A_408], %gather3A_406 : memref<1024x20xf32, #tpu.memory_space<vmem>>[vector<16xi32>, vector<16xi32>], vector<16xf32>,
      %lt3A_409 = arith.constant 0 : i32
      %lt3A_410 = vector.broadcast %lt3A_409 : i32 to vector<16xi32>
      %lt3A_411 = arith.cmpi slt, %get3A_178, %lt3A_410 : vector<16xi32>
      %add3A_412 = arith.constant 16 : i32
      %add3A_413 = vector.broadcast %add3A_412 : i32 to vector<16xi32>
      %add3A_414 = arith.addi %get3A_178, %add3A_413 : vector<16xi32>
      %select_n3A_415 = arith.select %lt3A_411, %add3A_414, %get3A_178 : vector<16xi1>, vector<16xi32>
      %broadcast_in_dim3A_416 = vector.shape_cast %select_n3A_415 : vector<16xi32> to vector<16x1xi32>
      %gather3A_417 = vector.shape_cast %broadcast_in_dim3A_416 : vector<16x1xi32> to vector<16xi32>
      %gather3A_418 = tpu.dynamic_gather %gather3A_120[%gather3A_417] in [0] : vector<16xf32>, vector<16xi32> -> vector<16xf32>
      %broadcast_in_dim3A_419 = arith.constant 19 : i32
      %broadcast_in_dim3A_420 = vector.broadcast %broadcast_in_dim3A_419 : i32 to vector<16xi32>
      tpu.vector_store_idx %arg7[%add3A_182, %broadcast_in_dim3A_420], %gather3A_418 : memref<1024x20xf32, #tpu.memory_space<vmem>>[vector<16xi32>, vector<16xi32>], vector<16xf32>,
    }
    %scan3A_126 = arith.constant 32 : i32
    %dma_start3A_127 = arith.constant 0 : i32
    %dma_start3A_128 = arith.constant 0 : i32
    %dma_start3A_129 = tpu.memref_slice %arg7[%dma_start3A_127, %dma_start3A_128] : memref<1024x20xf32, #tpu.memory_space<vmem>> -> memref<512x20xf32, #tpu.memory_space<vmem>>
    %dma_start3A_130 = arith.constant 0 : i32
    %dma_start3A_131 = tpu.memref_slice %arg4[%mul3A_2, %dma_start3A_130] : memref<16384x20xf32, #tpu.memory_space<hbm>> -> memref<512x20xf32, #tpu.memory_space<hbm>>
    %dma_start3A_132 = arith.constant 0 : i32
    %dma_start3A_133 = tpu.memref_slice %arg4[%mul3A_2, %dma_start3A_132] : memref<16384x20xf32, #tpu.memory_space<hbm>> -> memref<512x20xf32, #tpu.memory_space<hbm>>
    %dma_start3A_134 = arith.constant 0 : i32
    %dma_start3A_135 = arith.constant 0 : i32
    %dma_start3A_136 = tpu.memref_slice %arg7[%dma_start3A_134, %dma_start3A_135] : memref<1024x20xf32, #tpu.memory_space<vmem>> -> memref<512x20xf32, #tpu.memory_space<vmem>>
    tpu.enqueue_dma source(%dma_start3A_136 : memref<512x20xf32, #tpu.memory_space<vmem>>) target(%dma_start3A_133 : memref<512x20xf32, #tpu.memory_space<hbm>>) target_semaphore(%arg9 : memref<!tpu.dma_semaphore, #tpu.memory_space<semaphore_mem>>)
    %scan3A_137 = arith.constant 0 : i32
    %scan3A_138 = arith.constant 32 : i32
    %scan3A_139 = arith.constant 32 : i32
    %scan3A_140 = arith.addi %scan3A_138, %scan3A_139 : i32
    %scan3A_141 = arith.constant 1 : i32
    scf.for %scan3A_175 = %scan3A_138 to %scan3A_140 step %scan3A_141  : i32 {
      %mul3A_176 = arith.constant 16 : i32
      %mul3A_177 = arith.muli %scan3A_175, %mul3A_176 : i32
      %get3A = arith.index_cast %mul3A_177 : i32 to index
      %get3A_178 = tpu.vector_load %arg6[%get3A] {strides = array<i32>} : memref<1024xi32, #tpu.memory_space<vmem>>, vector<16xi32>,
      %mul3A_179 = arith.constant 16 : i32
      %mul3A_180 = arith.muli %scan3A_175, %mul3A_179 : i32
      %add3A_181 = vector.broadcast %mul3A_180 : i32 to vector<16xi32>
      %add3A_182 = arith.addi %add3A_181, %iota3A : vector<16xi32>
      %lt3A = arith.constant 0 : i32
      %lt3A_183 = vector.broadcast %lt3A : i32 to vector<16xi32>
      %lt3A_184 = arith.cmpi slt, %get3A_178, %lt3A_183 : vector<16xi32>
      %add3A_185 = arith.constant 16 : i32
      %add3A_186 = vector.broadcast %add3A_185 : i32 to vector<16xi32>
      %add3A_187 = arith.addi %get3A_178, %add3A_186 : vector<16xi32>
      %select_n3A = arith.select %lt3A_184, %add3A_187, %get3A_178 : vector<16xi1>, vector<16xi32>
      %broadcast_in_dim3A_188 = vector.shape_cast %select_n3A : vector<16xi32> to vector<16x1xi32>
      %gather3A_189 = vector.shape_cast %broadcast_in_dim3A_188 : vector<16x1xi32> to vector<16xi32>
      %gather3A_190 = tpu.dynamic_gather %gather3A[%gather3A_189] in [0] : vector<16xf32>, vector<16xi32> -> vector<16xf32>
      %broadcast_in_dim3A_191 = arith.constant 0 : i32
      %broadcast_in_dim3A_192 = vector.broadcast %broadcast_in_dim3A_191 : i32 to vector<16xi32>
      tpu.vector_store_idx %arg7[%add3A_182, %broadcast_in_dim3A_192], %gather3A_190 : memref<1024x20xf32, #tpu.memory_space<vmem>>[vector<16xi32>, vector<16xi32>], vector<16xf32>,
      %lt3A_193 = arith.constant 0 : i32
      %lt3A_194 = vector.broadcast %lt3A_193 : i32 to vector<16xi32>
      %lt3A_195 = arith.cmpi slt, %get3A_178, %lt3A_194 : vector<16xi32>
      %add3A_196 = arith.constant 16 : i32
      %add3A_197 = vector.broadcast %add3A_196 : i32 to vector<16xi32>
      %add3A_198 = arith.addi %get3A_178, %add3A_197 : vector<16xi32>
      %select_n3A_199 = arith.select %lt3A_195, %add3A_198, %get3A_178 : vector<16xi1>, vector<16xi32>
      %broadcast_in_dim3A_200 = vector.shape_cast %select_n3A_199 : vector<16xi32> to vector<16x1xi32>
      %gather3A_201 = vector.shape_cast %broadcast_in_dim3A_200 : vector<16x1xi32> to vector<16xi32>
      %gather3A_202 = tpu.dynamic_gather %gather3A_12[%gather3A_201] in [0] : vector<16xf32>, vector<16xi32> -> vector<16xf32>
      %broadcast_in_dim3A_203 = arith.constant 1 : i32
      %broadcast_in_dim3A_204 = vector.broadcast %broadcast_in_dim3A_203 : i32 to vector<16xi32>
      tpu.vector_store_idx %arg7[%add3A_182, %broadcast_in_dim3A_204], %gather3A_202 : memref<1024x20xf32, #tpu.memory_space<vmem>>[vector<16xi32>, vector<16xi32>], vector<16xf32>,
      %lt3A_205 = arith.constant 0 : i32
      %lt3A_206 = vector.broadcast %lt3A_205 : i32 to vector<16xi32>
      %lt3A_207 = arith.cmpi slt, %get3A_178, %lt3A_206 : vector<16xi32>
      %add3A_208 = arith.constant 16 : i32
      %add3A_209 = vector.broadcast %add3A_208 : i32 to vector<16xi32>
      %add3A_210 = arith.addi %get3A_178, %add3A_209 : vector<16xi32>
      %select_n3A_211 = arith.select %lt3A_207, %add3A_210, %get3A_178 : vector<16xi1>, vector<16xi32>
      %broadcast_in_dim3A_212 = vector.shape_cast %select_n3A_211 : vector<16xi32> to vector<16x1xi32>
      %gather3A_213 = vector.shape_cast %broadcast_in_dim3A_212 : vector<16x1xi32> to vector<16xi32>
      %gather3A_214 = tpu.dynamic_gather %gather3A_18[%gather3A_213] in [0] : vector<16xf32>, vector<16xi32> -> vector<16xf32>
      %broadcast_in_dim3A_215 = arith.constant 2 : i32
      %broadcast_in_dim3A_216 = vector.broadcast %broadcast_in_dim3A_215 : i32 to vector<16xi32>
      tpu.vector_store_idx %arg7[%add3A_182, %broadcast_in_dim3A_216], %gather3A_214 : memref<1024x20xf32, #tpu.memory_space<vmem>>[vector<16xi32>, vector<16xi32>], vector<16xf32>,
      %lt3A_217 = arith.constant 0 : i32
      %lt3A_218 = vector.broadcast %lt3A_217 : i32 to vector<16xi32>
      %lt3A_219 = arith.cmpi slt, %get3A_178, %lt3A_218 : vector<16xi32>
      %add3A_220 = arith.constant 16 : i32
      %add3A_221 = vector.broadcast %add3A_220 : i32 to vector<16xi32>
      %add3A_222 = arith.addi %get3A_178, %add3A_221 : vector<16xi32>
      %select_n3A_223 = arith.select %lt3A_219, %add3A_222, %get3A_178 : vector<16xi1>, vector<16xi32>
      %broadcast_in_dim3A_224 = vector.shape_cast %select_n3A_223 : vector<16xi32> to vector<16x1xi32>
      %gather3A_225 = vector.shape_cast %broadcast_in_dim3A_224 : vector<16x1xi32> to vector<16xi32>
      %gather3A_226 = tpu.dynamic_gather %gather3A_24[%gather3A_225] in [0] : vector<16xf32>, vector<16xi32> -> vector<16xf32>
      %broadcast_in_dim3A_227 = arith.constant 3 : i32
      %broadcast_in_dim3A_228 = vector.broadcast %broadcast_in_dim3A_227 : i32 to vector<16xi32>
      tpu.vector_store_idx %arg7[%add3A_182, %broadcast_in_dim3A_228], %gather3A_226 : memref<1024x20xf32, #tpu.memory_space<vmem>>[vector<16xi32>, vector<16xi32>], vector<16xf32>,
      %lt3A_229 = arith.constant 0 : i32
      %lt3A_230 = vector.broadcast %lt3A_229 : i32 to vector<16xi32>
      %lt3A_231 = arith.cmpi slt, %get3A_178, %lt3A_230 : vector<16xi32>
      %add3A_232 = arith.constant 16 : i32
      %add3A_233 = vector.broadcast %add3A_232 : i32 to vector<16xi32>
      %add3A_234 = arith.addi %get3A_178, %add3A_233 : vector<16xi32>
      %select_n3A_235 = arith.select %lt3A_231, %add3A_234, %get3A_178 : vector<16xi1>, vector<16xi32>
      %broadcast_in_dim3A_236 = vector.shape_cast %select_n3A_235 : vector<16xi32> to vector<16x1xi32>
      %gather3A_237 = vector.shape_cast %broadcast_in_dim3A_236 : vector<16x1xi32> to vector<16xi32>
      %gather3A_238 = tpu.dynamic_gather %gather3A_30[%gather3A_237] in [0] : vector<16xf32>, vector<16xi32> -> vector<16xf32>
      %broadcast_in_dim3A_239 = arith.constant 4 : i32
      %broadcast_in_dim3A_240 = vector.broadcast %broadcast_in_dim3A_239 : i32 to vector<16xi32>
      tpu.vector_store_idx %arg7[%add3A_182, %broadcast_in_dim3A_240], %gather3A_238 : memref<1024x20xf32, #tpu.memory_space<vmem>>[vector<16xi32>, vector<16xi32>], vector<16xf32>,
      %lt3A_241 = arith.constant 0 : i32
      %lt3A_242 = vector.broadcast %lt3A_241 : i32 to vector<16xi32>
      %lt3A_243 = arith.cmpi slt, %get3A_178, %lt3A_242 : vector<16xi32>
      %add3A_244 = arith.constant 16 : i32
      %add3A_245 = vector.broadcast %add3A_244 : i32 to vector<16xi32>
      %add3A_246 = arith.addi %get3A_178, %add3A_245 : vector<16xi32>
      %select_n3A_247 = arith.select %lt3A_243, %add3A_246, %get3A_178 : vector<16xi1>, vector<16xi32>
      %broadcast_in_dim3A_248 = vector.shape_cast %select_n3A_247 : vector<16xi32> to vector<16x1xi32>
      %gather3A_249 = vector.shape_cast %broadcast_in_dim3A_248 : vector<16x1xi32> to vector<16xi32>
      %gather3A_250 = tpu.dynamic_gather %gather3A_36[%gather3A_249] in [0] : vector<16xf32>, vector<16xi32> -> vector<16xf32>
      %broadcast_in_dim3A_251 = arith.constant 5 : i32
      %broadcast_in_dim3A_252 = vector.broadcast %broadcast_in_dim3A_251 : i32 to vector<16xi32>
      tpu.vector_store_idx %arg7[%add3A_182, %broadcast_in_dim3A_252], %gather3A_250 : memref<1024x20xf32, #tpu.memory_space<vmem>>[vector<16xi32>, vector<16xi32>], vector<16xf32>,
      %lt3A_253 = arith.constant 0 : i32
      %lt3A_254 = vector.broadcast %lt3A_253 : i32 to vector<16xi32>
      %lt3A_255 = arith.cmpi slt, %get3A_178, %lt3A_254 : vector<16xi32>
      %add3A_256 = arith.constant 16 : i32
      %add3A_257 = vector.broadcast %add3A_256 : i32 to vector<16xi32>
      %add3A_258 = arith.addi %get3A_178, %add3A_257 : vector<16xi32>
      %select_n3A_259 = arith.select %lt3A_255, %add3A_258, %get3A_178 : vector<16xi1>, vector<16xi32>
      %broadcast_in_dim3A_260 = vector.shape_cast %select_n3A_259 : vector<16xi32> to vector<16x1xi32>
      %gather3A_261 = vector.shape_cast %broadcast_in_dim3A_260 : vector<16x1xi32> to vector<16xi32>
      %gather3A_262 = tpu.dynamic_gather %gather3A_42[%gather3A_261] in [0] : vector<16xf32>, vector<16xi32> -> vector<16xf32>
      %broadcast_in_dim3A_263 = arith.constant 6 : i32
      %broadcast_in_dim3A_264 = vector.broadcast %broadcast_in_dim3A_263 : i32 to vector<16xi32>
      tpu.vector_store_idx %arg7[%add3A_182, %broadcast_in_dim3A_264], %gather3A_262 : memref<1024x20xf32, #tpu.memory_space<vmem>>[vector<16xi32>, vector<16xi32>], vector<16xf32>,
      %lt3A_265 = arith.constant 0 : i32
      %lt3A_266 = vector.broadcast %lt3A_265 : i32 to vector<16xi32>
      %lt3A_267 = arith.cmpi slt, %get3A_178, %lt3A_266 : vector<16xi32>
      %add3A_268 = arith.constant 16 : i32
      %add3A_269 = vector.broadcast %add3A_268 : i32 to vector<16xi32>
      %add3A_270 = arith.addi %get3A_178, %add3A_269 : vector<16xi32>
      %select_n3A_271 = arith.select %lt3A_267, %add3A_270, %get3A_178 : vector<16xi1>, vector<16xi32>
      %broadcast_in_dim3A_272 = vector.shape_cast %select_n3A_271 : vector<16xi32> to vector<16x1xi32>
      %gather3A_273 = vector.shape_cast %broadcast_in_dim3A_272 : vector<16x1xi32> to vector<16xi32>
      %gather3A_274 = tpu.dynamic_gather %gather3A_48[%gather3A_273] in [0] : vector<16xf32>, vector<16xi32> -> vector<16xf32>
      %broadcast_in_dim3A_275 = arith.constant 7 : i32
      %broadcast_in_dim3A_276 = vector.broadcast %broadcast_in_dim3A_275 : i32 to vector<16xi32>
      tpu.vector_store_idx %arg7[%add3A_182, %broadcast_in_dim3A_276], %gather3A_274 : memref<1024x20xf32, #tpu.memory_space<vmem>>[vector<16xi32>, vector<16xi32>], vector<16xf32>,
      %lt3A_277 = arith.constant 0 : i32
      %lt3A_278 = vector.broadcast %lt3A_277 : i32 to vector<16xi32>
      %lt3A_279 = arith.cmpi slt, %get3A_178, %lt3A_278 : vector<16xi32>
      %add3A_280 = arith.constant 16 : i32
      %add3A_281 = vector.broadcast %add3A_280 : i32 to vector<16xi32>
      %add3A_282 = arith.addi %get3A_178, %add3A_281 : vector<16xi32>
      %select_n3A_283 = arith.select %lt3A_279, %add3A_282, %get3A_178 : vector<16xi1>, vector<16xi32>
      %broadcast_in_dim3A_284 = vector.shape_cast %select_n3A_283 : vector<16xi32> to vector<16x1xi32>
      %gather3A_285 = vector.shape_cast %broadcast_in_dim3A_284 : vector<16x1xi32> to vector<16xi32>
      %gather3A_286 = tpu.dynamic_gather %gather3A_54[%gather3A_285] in [0] : vector<16xf32>, vector<16xi32> -> vector<16xf32>
      %broadcast_in_dim3A_287 = arith.constant 8 : i32
      %broadcast_in_dim3A_288 = vector.broadcast %broadcast_in_dim3A_287 : i32 to vector<16xi32>
      tpu.vector_store_idx %arg7[%add3A_182, %broadcast_in_dim3A_288], %gather3A_286 : memref<1024x20xf32, #tpu.memory_space<vmem>>[vector<16xi32>, vector<16xi32>], vector<16xf32>,
      %lt3A_289 = arith.constant 0 : i32
      %lt3A_290 = vector.broadcast %lt3A_289 : i32 to vector<16xi32>
      %lt3A_291 = arith.cmpi slt, %get3A_178, %lt3A_290 : vector<16xi32>
      %add3A_292 = arith.constant 16 : i32
      %add3A_293 = vector.broadcast %add3A_292 : i32 to vector<16xi32>
      %add3A_294 = arith.addi %get3A_178, %add3A_293 : vector<16xi32>
      %select_n3A_295 = arith.select %lt3A_291, %add3A_294, %get3A_178 : vector<16xi1>, vector<16xi32>
      %broadcast_in_dim3A_296 = vector.shape_cast %select_n3A_295 : vector<16xi32> to vector<16x1xi32>
      %gather3A_297 = vector.shape_cast %broadcast_in_dim3A_296 : vector<16x1xi32> to vector<16xi32>
      %gather3A_298 = tpu.dynamic_gather %gather3A_60[%gather3A_297] in [0] : vector<16xf32>, vector<16xi32> -> vector<16xf32>
      %broadcast_in_dim3A_299 = arith.constant 9 : i32
      %broadcast_in_dim3A_300 = vector.broadcast %broadcast_in_dim3A_299 : i32 to vector<16xi32>
      tpu.vector_store_idx %arg7[%add3A_182, %broadcast_in_dim3A_300], %gather3A_298 : memref<1024x20xf32, #tpu.memory_space<vmem>>[vector<16xi32>, vector<16xi32>], vector<16xf32>,
      %lt3A_301 = arith.constant 0 : i32
      %lt3A_302 = vector.broadcast %lt3A_301 : i32 to vector<16xi32>
      %lt3A_303 = arith.cmpi slt, %get3A_178, %lt3A_302 : vector<16xi32>
      %add3A_304 = arith.constant 16 : i32
      %add3A_305 = vector.broadcast %add3A_304 : i32 to vector<16xi32>
      %add3A_306 = arith.addi %get3A_178, %add3A_305 : vector<16xi32>
      %select_n3A_307 = arith.select %lt3A_303, %add3A_306, %get3A_178 : vector<16xi1>, vector<16xi32>
      %broadcast_in_dim3A_308 = vector.shape_cast %select_n3A_307 : vector<16xi32> to vector<16x1xi32>
      %gather3A_309 = vector.shape_cast %broadcast_in_dim3A_308 : vector<16x1xi32> to vector<16xi32>
      %gather3A_310 = tpu.dynamic_gather %gather3A_66[%gather3A_309] in [0] : vector<16xf32>, vector<16xi32> -> vector<16xf32>
      %broadcast_in_dim3A_311 = arith.constant 10 : i32
      %broadcast_in_dim3A_312 = vector.broadcast %broadcast_in_dim3A_311 : i32 to vector<16xi32>
      tpu.vector_store_idx %arg7[%add3A_182, %broadcast_in_dim3A_312], %gather3A_310 : memref<1024x20xf32, #tpu.memory_space<vmem>>[vector<16xi32>, vector<16xi32>], vector<16xf32>,
      %lt3A_313 = arith.constant 0 : i32
      %lt3A_314 = vector.broadcast %lt3A_313 : i32 to vector<16xi32>
      %lt3A_315 = arith.cmpi slt, %get3A_178, %lt3A_314 : vector<16xi32>
      %add3A_316 = arith.constant 16 : i32
      %add3A_317 = vector.broadcast %add3A_316 : i32 to vector<16xi32>
      %add3A_318 = arith.addi %get3A_178, %add3A_317 : vector<16xi32>
      %select_n3A_319 = arith.select %lt3A_315, %add3A_318, %get3A_178 : vector<16xi1>, vector<16xi32>
      %broadcast_in_dim3A_320 = vector.shape_cast %select_n3A_319 : vector<16xi32> to vector<16x1xi32>
      %gather3A_321 = vector.shape_cast %broadcast_in_dim3A_320 : vector<16x1xi32> to vector<16xi32>
      %gather3A_322 = tpu.dynamic_gather %gather3A_72[%gather3A_321] in [0] : vector<16xf32>, vector<16xi32> -> vector<16xf32>
      %broadcast_in_dim3A_323 = arith.constant 11 : i32
      %broadcast_in_dim3A_324 = vector.broadcast %broadcast_in_dim3A_323 : i32 to vector<16xi32>
      tpu.vector_store_idx %arg7[%add3A_182, %broadcast_in_dim3A_324], %gather3A_322 : memref<1024x20xf32, #tpu.memory_space<vmem>>[vector<16xi32>, vector<16xi32>], vector<16xf32>,
      %lt3A_325 = arith.constant 0 : i32
      %lt3A_326 = vector.broadcast %lt3A_325 : i32 to vector<16xi32>
      %lt3A_327 = arith.cmpi slt, %get3A_178, %lt3A_326 : vector<16xi32>
      %add3A_328 = arith.constant 16 : i32
      %add3A_329 = vector.broadcast %add3A_328 : i32 to vector<16xi32>
      %add3A_330 = arith.addi %get3A_178, %add3A_329 : vector<16xi32>
      %select_n3A_331 = arith.select %lt3A_327, %add3A_330, %get3A_178 : vector<16xi1>, vector<16xi32>
      %broadcast_in_dim3A_332 = vector.shape_cast %select_n3A_331 : vector<16xi32> to vector<16x1xi32>
      %gather3A_333 = vector.shape_cast %broadcast_in_dim3A_332 : vector<16x1xi32> to vector<16xi32>
      %gather3A_334 = tpu.dynamic_gather %gather3A_78[%gather3A_333] in [0] : vector<16xf32>, vector<16xi32> -> vector<16xf32>
      %broadcast_in_dim3A_335 = arith.constant 12 : i32
      %broadcast_in_dim3A_336 = vector.broadcast %broadcast_in_dim3A_335 : i32 to vector<16xi32>
      tpu.vector_store_idx %arg7[%add3A_182, %broadcast_in_dim3A_336], %gather3A_334 : memref<1024x20xf32, #tpu.memory_space<vmem>>[vector<16xi32>, vector<16xi32>], vector<16xf32>,
      %lt3A_337 = arith.constant 0 : i32
      %lt3A_338 = vector.broadcast %lt3A_337 : i32 to vector<16xi32>
      %lt3A_339 = arith.cmpi slt, %get3A_178, %lt3A_338 : vector<16xi32>
      %add3A_340 = arith.constant 16 : i32
      %add3A_341 = vector.broadcast %add3A_340 : i32 to vector<16xi32>
      %add3A_342 = arith.addi %get3A_178, %add3A_341 : vector<16xi32>
      %select_n3A_343 = arith.select %lt3A_339, %add3A_342, %get3A_178 : vector<16xi1>, vector<16xi32>
      %broadcast_in_dim3A_344 = vector.shape_cast %select_n3A_343 : vector<16xi32> to vector<16x1xi32>
      %gather3A_345 = vector.shape_cast %broadcast_in_dim3A_344 : vector<16x1xi32> to vector<16xi32>
      %gather3A_346 = tpu.dynamic_gather %gather3A_84[%gather3A_345] in [0] : vector<16xf32>, vector<16xi32> -> vector<16xf32>
      %broadcast_in_dim3A_347 = arith.constant 13 : i32
      %broadcast_in_dim3A_348 = vector.broadcast %broadcast_in_dim3A_347 : i32 to vector<16xi32>
      tpu.vector_store_idx %arg7[%add3A_182, %broadcast_in_dim3A_348], %gather3A_346 : memref<1024x20xf32, #tpu.memory_space<vmem>>[vector<16xi32>, vector<16xi32>], vector<16xf32>,
      %lt3A_349 = arith.constant 0 : i32
      %lt3A_350 = vector.broadcast %lt3A_349 : i32 to vector<16xi32>
      %lt3A_351 = arith.cmpi slt, %get3A_178, %lt3A_350 : vector<16xi32>
      %add3A_352 = arith.constant 16 : i32
      %add3A_353 = vector.broadcast %add3A_352 : i32 to vector<16xi32>
      %add3A_354 = arith.addi %get3A_178, %add3A_353 : vector<16xi32>
      %select_n3A_355 = arith.select %lt3A_351, %add3A_354, %get3A_178 : vector<16xi1>, vector<16xi32>
      %broadcast_in_dim3A_356 = vector.shape_cast %select_n3A_355 : vector<16xi32> to vector<16x1xi32>
      %gather3A_357 = vector.shape_cast %broadcast_in_dim3A_356 : vector<16x1xi32> to vector<16xi32>
      %gather3A_358 = tpu.dynamic_gather %gather3A_90[%gather3A_357] in [0] : vector<16xf32>, vector<16xi32> -> vector<16xf32>
      %broadcast_in_dim3A_359 = arith.constant 14 : i32
      %broadcast_in_dim3A_360 = vector.broadcast %broadcast_in_dim3A_359 : i32 to vector<16xi32>
      tpu.vector_store_idx %arg7[%add3A_182, %broadcast_in_dim3A_360], %gather3A_358 : memref<1024x20xf32, #tpu.memory_space<vmem>>[vector<16xi32>, vector<16xi32>], vector<16xf32>,
      %lt3A_361 = arith.constant 0 : i32
      %lt3A_362 = vector.broadcast %lt3A_361 : i32 to vector<16xi32>
      %lt3A_363 = arith.cmpi slt, %get3A_178, %lt3A_362 : vector<16xi32>
      %add3A_364 = arith.constant 16 : i32
      %add3A_365 = vector.broadcast %add3A_364 : i32 to vector<16xi32>
      %add3A_366 = arith.addi %get3A_178, %add3A_365 : vector<16xi32>
      %select_n3A_367 = arith.select %lt3A_363, %add3A_366, %get3A_178 : vector<16xi1>, vector<16xi32>
      %broadcast_in_dim3A_368 = vector.shape_cast %select_n3A_367 : vector<16xi32> to vector<16x1xi32>
      %gather3A_369 = vector.shape_cast %broadcast_in_dim3A_368 : vector<16x1xi32> to vector<16xi32>
      %gather3A_370 = tpu.dynamic_gather %gather3A_96[%gather3A_369] in [0] : vector<16xf32>, vector<16xi32> -> vector<16xf32>
      %broadcast_in_dim3A_371 = arith.constant 15 : i32
      %broadcast_in_dim3A_372 = vector.broadcast %broadcast_in_dim3A_371 : i32 to vector<16xi32>
      tpu.vector_store_idx %arg7[%add3A_182, %broadcast_in_dim3A_372], %gather3A_370 : memref<1024x20xf32, #tpu.memory_space<vmem>>[vector<16xi32>, vector<16xi32>], vector<16xf32>,
      %lt3A_373 = arith.constant 0 : i32
      %lt3A_374 = vector.broadcast %lt3A_373 : i32 to vector<16xi32>
      %lt3A_375 = arith.cmpi slt, %get3A_178, %lt3A_374 : vector<16xi32>
      %add3A_376 = arith.constant 16 : i32
      %add3A_377 = vector.broadcast %add3A_376 : i32 to vector<16xi32>
      %add3A_378 = arith.addi %get3A_178, %add3A_377 : vector<16xi32>
      %select_n3A_379 = arith.select %lt3A_375, %add3A_378, %get3A_178 : vector<16xi1>, vector<16xi32>
      %broadcast_in_dim3A_380 = vector.shape_cast %select_n3A_379 : vector<16xi32> to vector<16x1xi32>
      %gather3A_381 = vector.shape_cast %broadcast_in_dim3A_380 : vector<16x1xi32> to vector<16xi32>
      %gather3A_382 = tpu.dynamic_gather %gather3A_102[%gather3A_381] in [0] : vector<16xf32>, vector<16xi32> -> vector<16xf32>
      %broadcast_in_dim3A_383 = arith.constant 16 : i32
      %broadcast_in_dim3A_384 = vector.broadcast %broadcast_in_dim3A_383 : i32 to vector<16xi32>
      tpu.vector_store_idx %arg7[%add3A_182, %broadcast_in_dim3A_384], %gather3A_382 : memref<1024x20xf32, #tpu.memory_space<vmem>>[vector<16xi32>, vector<16xi32>], vector<16xf32>,
      %lt3A_385 = arith.constant 0 : i32
      %lt3A_386 = vector.broadcast %lt3A_385 : i32 to vector<16xi32>
      %lt3A_387 = arith.cmpi slt, %get3A_178, %lt3A_386 : vector<16xi32>
      %add3A_388 = arith.constant 16 : i32
      %add3A_389 = vector.broadcast %add3A_388 : i32 to vector<16xi32>
      %add3A_390 = arith.addi %get3A_178, %add3A_389 : vector<16xi32>
      %select_n3A_391 = arith.select %lt3A_387, %add3A_390, %get3A_178 : vector<16xi1>, vector<16xi32>
      %broadcast_in_dim3A_392 = vector.shape_cast %select_n3A_391 : vector<16xi32> to vector<16x1xi32>
      %gather3A_393 = vector.shape_cast %broadcast_in_dim3A_392 : vector<16x1xi32> to vector<16xi32>
      %gather3A_394 = tpu.dynamic_gather %gather3A_108[%gather3A_393] in [0] : vector<16xf32>, vector<16xi32> -> vector<16xf32>
      %broadcast_in_dim3A_395 = arith.constant 17 : i32
      %broadcast_in_dim3A_396 = vector.broadcast %broadcast_in_dim3A_395 : i32 to vector<16xi32>
      tpu.vector_store_idx %arg7[%add3A_182, %broadcast_in_dim3A_396], %gather3A_394 : memref<1024x20xf32, #tpu.memory_space<vmem>>[vector<16xi32>, vector<16xi32>], vector<16xf32>,
      %lt3A_397 = arith.constant 0 : i32
      %lt3A_398 = vector.broadcast %lt3A_397 : i32 to vector<16xi32>
      %lt3A_399 = arith.cmpi slt, %get3A_178, %lt3A_398 : vector<16xi32>
      %add3A_400 = arith.constant 16 : i32
      %add3A_401 = vector.broadcast %add3A_400 : i32 to vector<16xi32>
      %add3A_402 = arith.addi %get3A_178, %add3A_401 : vector<16xi32>
      %select_n3A_403 = arith.select %lt3A_399, %add3A_402, %get3A_178 : vector<16xi1>, vector<16xi32>
      %broadcast_in_dim3A_404 = vector.shape_cast %select_n3A_403 : vector<16xi32> to vector<16x1xi32>
      %gather3A_405 = vector.shape_cast %broadcast_in_dim3A_404 : vector<16x1xi32> to vector<16xi32>
      %gather3A_406 = tpu.dynamic_gather %gather3A_114[%gather3A_405] in [0] : vector<16xf32>, vector<16xi32> -> vector<16xf32>
      %broadcast_in_dim3A_407 = arith.constant 18 : i32
      %broadcast_in_dim3A_408 = vector.broadcast %broadcast_in_dim3A_407 : i32 to vector<16xi32>
      tpu.vector_store_idx %arg7[%add3A_182, %broadcast_in_dim3A_408], %gather3A_406 : memref<1024x20xf32, #tpu.memory_space<vmem>>[vector<16xi32>, vector<16xi32>], vector<16xf32>,
      %lt3A_409 = arith.constant 0 : i32
      %lt3A_410 = vector.broadcast %lt3A_409 : i32 to vector<16xi32>
      %lt3A_411 = arith.cmpi slt, %get3A_178, %lt3A_410 : vector<16xi32>
      %add3A_412 = arith.constant 16 : i32
      %add3A_413 = vector.broadcast %add3A_412 : i32 to vector<16xi32>
      %add3A_414 = arith.addi %get3A_178, %add3A_413 : vector<16xi32>
      %select_n3A_415 = arith.select %lt3A_411, %add3A_414, %get3A_178 : vector<16xi1>, vector<16xi32>
      %broadcast_in_dim3A_416 = vector.shape_cast %select_n3A_415 : vector<16xi32> to vector<16x1xi32>
      %gather3A_417 = vector.shape_cast %broadcast_in_dim3A_416 : vector<16x1xi32> to vector<16xi32>
      %gather3A_418 = tpu.dynamic_gather %gather3A_120[%gather3A_417] in [0] : vector<16xf32>, vector<16xi32> -> vector<16xf32>
      %broadcast_in_dim3A_419 = arith.constant 19 : i32
      %broadcast_in_dim3A_420 = vector.broadcast %broadcast_in_dim3A_419 : i32 to vector<16xi32>
      tpu.vector_store_idx %arg7[%add3A_182, %broadcast_in_dim3A_420], %gather3A_418 : memref<1024x20xf32, #tpu.memory_space<vmem>>[vector<16xi32>, vector<16xi32>], vector<16xf32>,
    }
    %scan3A_142 = arith.constant 32 : i32
    %add3A_143 = arith.constant 512 : i32
    %add3A_144 = arith.addi %mul3A_2, %add3A_143 : i32
    %dma_start3A_145 = arith.constant 512 : i32
    %dma_start3A_146 = arith.constant 0 : i32
    %dma_start3A_147 = tpu.memref_slice %arg7[%dma_start3A_145, %dma_start3A_146] : memref<1024x20xf32, #tpu.memory_space<vmem>> -> memref<512x20xf32, #tpu.memory_space<vmem>>
    %dma_start3A_148 = arith.constant 0 : i32
    %dma_start3A_149 = tpu.memref_slice %arg4[%add3A_144, %dma_start3A_148] : memref<16384x20xf32, #tpu.memory_space<hbm>> -> memref<512x20xf32, #tpu.memory_space<hbm>>
    %dma_start3A_150 = arith.constant 0 : i32
    %dma_start3A_151 = tpu.memref_slice %arg4[%add3A_144, %dma_start3A_150] : memref<16384x20xf32, #tpu.memory_space<hbm>> -> memref<512x20xf32, #tpu.memory_space<hbm>>
    %dma_start3A_152 = arith.constant 512 : i32
    %dma_start3A_153 = arith.constant 0 : i32
    %dma_start3A_154 = tpu.memref_slice %arg7[%dma_start3A_152, %dma_start3A_153] : memref<1024x20xf32, #tpu.memory_space<vmem>> -> memref<512x20xf32, #tpu.memory_space<vmem>>
    tpu.enqueue_dma source(%dma_start3A_154 : memref<512x20xf32, #tpu.memory_space<vmem>>) target(%dma_start3A_151 : memref<512x20xf32, #tpu.memory_space<hbm>>) target_semaphore(%arg9 : memref<!tpu.dma_semaphore, #tpu.memory_space<semaphore_mem>>)
    %dma_wait3A_155 = arith.constant 0 : i32
    %dma_wait3A_156 = arith.constant 0 : i32
    %dma_wait3A_157 = tpu.memref_slice %arg7[%dma_wait3A_155, %dma_wait3A_156] : memref<1024x20xf32, #tpu.memory_space<vmem>> -> memref<512x20xf32, #tpu.memory_space<vmem>>
    %dma_wait3A_158 = arith.constant 0 : i32
    %dma_wait3A_159 = tpu.memref_slice %arg4[%mul3A_2, %dma_wait3A_158] : memref<16384x20xf32, #tpu.memory_space<hbm>> -> memref<512x20xf32, #tpu.memory_space<hbm>>
    %dma_wait3A_160 = arith.constant 0 : i32
    %dma_wait3A_161 = tpu.memref_slice %arg4[%mul3A_2, %dma_wait3A_160] : memref<16384x20xf32, #tpu.memory_space<hbm>> -> memref<512x20xf32, #tpu.memory_space<hbm>>
    %dma_wait3A_162 = arith.constant 0 : i32
    %dma_wait3A_163 = arith.constant 0 : i32
    %dma_wait3A_164 = tpu.memref_slice %arg7[%dma_wait3A_162, %dma_wait3A_163] : memref<1024x20xf32, #tpu.memory_space<vmem>> -> memref<512x20xf32, #tpu.memory_space<vmem>>
    tpu.wait_dma2 semaphore(%arg9 : memref<!tpu.dma_semaphore, #tpu.memory_space<semaphore_mem>>) src(%dma_wait3A_164 : memref<512x20xf32, #tpu.memory_space<vmem>>) dst(%dma_wait3A_161 : memref<512x20xf32, #tpu.memory_space<hbm>>)
    %dma_wait3A_165 = arith.constant 512 : i32
    %dma_wait3A_166 = arith.constant 0 : i32
    %dma_wait3A_167 = tpu.memref_slice %arg7[%dma_wait3A_165, %dma_wait3A_166] : memref<1024x20xf32, #tpu.memory_space<vmem>> -> memref<512x20xf32, #tpu.memory_space<vmem>>
    %dma_wait3A_168 = arith.constant 0 : i32
    %dma_wait3A_169 = tpu.memref_slice %arg4[%add3A_144, %dma_wait3A_168] : memref<16384x20xf32, #tpu.memory_space<hbm>> -> memref<512x20xf32, #tpu.memory_space<hbm>>
    %dma_wait3A_170 = arith.constant 0 : i32
    %dma_wait3A_171 = tpu.memref_slice %arg4[%add3A_144, %dma_wait3A_170] : memref<16384x20xf32, #tpu.memory_space<hbm>> -> memref<512x20xf32, #tpu.memory_space<hbm>>
    %dma_wait3A_172 = arith.constant 512 : i32
    %dma_wait3A_173 = arith.constant 0 : i32
    %dma_wait3A_174 = tpu.memref_slice %arg7[%dma_wait3A_172, %dma_wait3A_173] : memref<1024x20xf32, #tpu.memory_space<vmem>> -> memref<512x20xf32, #tpu.memory_space<vmem>>
    tpu.wait_dma2 semaphore(%arg9 : memref<!tpu.dma_semaphore, #tpu.memory_space<semaphore_mem>>) src(%dma_wait3A_174 : memref<512x20xf32, #tpu.memory_space<vmem>>) dst(%dma_wait3A_171 : memref<512x20xf32, #tpu.memory_space<hbm>>)
    return
  }
}

</mosaic_0001>

<sc_bundles>
// kernel: kernel.3.cloned.1.call-start
scs
__scs_entry_jumppad:
0x0: {  	(pc) =	sbr.rel $0x88, $3  }
0x1: {  	(tag) =	ssettag $0x0;
	lr =	simm.s32 $0x1  }
0x2: {  	[smem:$0x3F9F] =	sst lr;
	_ =	strace $0xD0000000  }
0x3: {  	_ = 	snop  }
0x4: {  	_ = 	snop  }
0x5: {  	_ = 	snop  }
0x6: {  	_ = 	snop  }
0x7: {  	_ = 	snop  }
__scs_overlays_trampoline_lowered:
0x8: {  	[smem:$0x3FAE] =	sst s0  }
0x9: {  	[smem:$0x3FAF] =	sst s1  }
0xa: {  	[smem:$0x3FB0] =	sst s2  }
0xb: {  	[smem:$0x3FB1] =	sst s3  }
0xc: {  	[smem:$0x3FB2] =	sst s4  }
0xd: {  	[smem:$0x3FB3] =	sst s5  }
0xe: {  	[smem:$0x3FB4] =	sst s6  }
0xf: {  	[smem:$0x3FB5] =	sst s7  }
0x10: {  	[smem:$0x3FB6] =	sst s8  }
0x11: {  	[smem:$0x3FB7] =	sst s9;
	s0 =	simm.s32 @!p0 $0x0  }
0x12: {  	s1 =	sld [smem:$0x3F9D];
	s0 =	simm.s32 @p0 $0x1  }
0x13: {  	[smem:$0x3FB8] =	sst s0;
	s0 =	simm.s32 @!p1 $0x0  }
0x14: {  	s2 =	sld [smem:$0x3F9C];
	s0 =	simm.s32 @p1 $0x1  }
0x15: {  	[smem:$0x3FB9] =	sst s0;
	s0 =	simm.s32 @!p2 $0x0  }
0x16: {  	s3 =	sld [smem:$0x3FDB];
	s0 =	simm.s32 @p2 $0x1  }
0x17: {  	s4 =	simm.s32 $0x1BF5;
	[smem:$0x3FBB] =	sst s0  }
0x18: {  	s0 =	sld [smem:$0x3F9E];
	_ =	swait.ge [sflag:s4], $0x0  }
0x19: {  	s7 =	sld [smem:$0x3F9F]  }
0x1a: {  	s8 =	sadd.s32 $0xFFFFE003, lr  }
0x1b: {  	s9 =	sadd.s32 $0xFFFFFEF7, lr;
	s5 =	simm.s32 $0xFFFFFFFF;
	p2 =	slt.u32 s8, $0xFFFFF086  }
0x1c: {  	p1 =	slt.u32 s9, $0xF7A;
	s5 =	simm.s32 @!p2 $0x0  }
0x1d: {  	s5 =	simm.s32 @p1 $0x1;
	p0 =	seq.s32 s7, s2  }
0x1e: {  	s7 =	smul.u32 @!p0 $0xF7A, s2;
	p2 =	seq.s32 @!p0 s5, $0x0  }
0x1f: {  	s9 =	smul.u32 $0xF7A, s1;
	s8 =	simm.s32 @!p0 $0x1BF5;
	p2 =	por !p2, p0  }
0x20: {  	[sflag:s8] =	ssyncset.s32 @!p0 $0xFFFFF086;
	s6 =	sadd.s32 @!p0 s3, s7;
	s7 =	simm.s32 @!p0 $0x108  }
0x21: {  	s3 =	sadd.s32 s3, s9;
	s6 =	sadd.s32 @!p0 $0x88, s6;
	s7 =	simm.s32 @p2 $0x1082  }
0x22: {  	[simem:s7], [sflag:s8] =	dma.local @!p0 [hbm:s6], $0xF7A  }
0x23: {  	s9 =	sor.u32 $0xD0000000, s2;
	s6 =	simm.s32 $0x108;
	_ =	swait.ge @!p0 [sflag:s8], $0x0  }
0x24: {  	s3 =	sadd.s32 $0x88, s3;
	s6 =	simm.s32 @!p1 $0x1082;
	[sflag:s4] =	ssyncset.s32 $0xFFFFF086  }
0x25: {  	[simem:s6], [sflag:s4] =	dma.local [hbm:s3], $0xF7A  }
0x26: {  	[smem:$0x3F9F] =	sst s1;
	(tag) =	ssettag s2;
	_ =	strace s9  }
0x27: {  	s1 =	sld [smem:$0x3FAF]  }
0x28: {  	s2 =	sld [smem:$0x3FB0]  }
0x29: {  	s4 =	sld [smem:$0x3FB2]  }
0x2a: {  	p0 =	seq.s32 s5, $0x0;
	s5 =	sld [smem:$0x3FB3]  }
0x2b: {  	s6 =	sld [smem:$0x3FB4]  }
0x2c: {  	s7 =	sld [smem:$0x3FB5]  }
0x2d: {  	s3 =	simm.s32 $0x108;
	s8 =	sld [smem:$0x3FB6]  }
0x2e: {  	s3 =	simm.s32 @!p0 $0x1082;
	s9 =	sld [smem:$0x3FB7]  }
0x2f: {  	lr =	sadd.s32 s0, s3;
	s0 =	sld [smem:$0x3FAE]  }
0x30: {  	s3 =	sld [smem:$0x3FB1]  }
0x31: {  	[smem:$0x3FBA] =	sst s10  }
0x32: {  	s10 =	sld [smem:$0x3FB8];
	_ =	sdelay $0x3  }
0x33: {  	p0 =	seq.s32 s10, $0x1;
	s10 =	sld [smem:$0x3FBA];
	_ =	sdelay $0x3  }
0x34: {  	[smem:$0x3FBA] =	sst s10  }
0x35: {  	s10 =	sld [smem:$0x3FB9];
	_ =	sdelay $0x3  }
0x36: {  	p1 =	seq.s32 s10, $0x1;
	s10 =	sld [smem:$0x3FBA];
	_ =	sdelay $0x3  }
0x37: {  	[smem:$0x3FBA] =	sst s10  }
0x38: {  	s10 =	sld [smem:$0x3FBB]  }
0x39: {  	_ = 	snop;
	(pc) =	sbr.ind lr, $3  }
0x3a: {  	_ = 	snop  }
0x3b: {  	_ = 	snop  }
0x3c: {  	p2 =	seq.s32 s10, $0x1;
	s10 =	sld [smem:$0x3FBA]  }
0x3d: {  	_ =	shalt  }
0x3e: {  	_ =	shalt  }
0x3f: {  	_ =	shalt  }
0x40: {  	_ =	shalt  }
0x41: {  	_ =	shalt  }
0x42: {  	_ =	shalt  }
0x43: {  	_ =	shalt  }
0x44: {  	_ =	shalt  }
0x45: {  	_ =	shalt  }
0x46: {  	_ =	shalt  }
0x47: {  	_ =	shalt  }
0x48: {  	_ =	shalt  }
0x49: {  	_ =	shalt  }
0x4a: {  	_ =	shalt  }
0x4b: {  	_ =	shalt  }
0x4c: {  	_ =	shalt  }
0x4d: {  	_ =	shalt  }
0x4e: {  	_ =	shalt  }
0x4f: {  	_ =	shalt  }
0x50: {  	_ =	shalt  }
0x51: {  	_ =	shalt  }
0x52: {  	_ =	shalt  }
0x53: {  	_ =	shalt  }
0x54: {  	_ =	shalt  }
0x55: {  	_ =	shalt  }
0x56: {  	_ =	shalt  }
0x57: {  	_ =	shalt  }
0x58: {  	_ =	shalt  }
0x59: {  	_ =	shalt  }
0x5a: {  	_ =	shalt  }
0x5b: {  	_ =	shalt  }
0x5c: {  	_ =	shalt  }
0x5d: {  	_ =	shalt  }
0x5e: {  	_ =	shalt  }
0x5f: {  	_ =	shalt  }
0x60: {  	_ =	shalt  }
0x61: {  	_ =	shalt  }
0x62: {  	_ =	shalt  }
0x63: {  	_ =	shalt  }
0x64: {  	_ =	shalt  }
0x65: {  	_ =	shalt  }
0x66: {  	_ =	shalt  }
0x67: {  	_ =	shalt  }
0x68: {  	_ =	shalt  }
0x69: {  	_ =	shalt  }
0x6a: {  	_ =	shalt  }
0x6b: {  	_ =	shalt  }
0x6c: {  	_ =	shalt  }
0x6d: {  	_ =	shalt  }
0x6e: {  	_ =	shalt  }
0x6f: {  	_ =	shalt  }
0x70: {  	_ =	shalt  }
0x71: {  	_ =	shalt  }
0x72: {  	_ =	shalt  }
0x73: {  	_ =	shalt  }
0x74: {  	_ =	shalt  }
0x75: {  	_ =	shalt  }
0x76: {  	_ =	shalt  }
0x77: {  	_ =	shalt  }
0x78: {  	_ =	shalt  }
0x79: {  	_ =	shalt  }
0x7a: {  	_ =	shalt  }
0x7b: {  	_ =	shalt  }
0x7c: {  	_ =	shalt  }
0x7d: {  	_ =	shalt  }
0x7e: {  	_ =	shalt  }
0x7f: {  	_ =	shalt  }
0x80: {  	_ =	shalt  }
0x81: {  	_ =	shalt  }
0x82: {  	_ =	shalt  }
0x83: {  	_ =	shalt  }
0x84: {  	_ =	shalt  }
0x85: {  	_ =	shalt  }
0x86: {  	_ =	shalt  }
0x87: {  	_ =	shalt  }
.Lfunc_end0:
.L_simem_size_0:
called_computation_lowered:
.L_overlay_start_0:
0x88: {  	s0 =	sld [smem:$0x3FD9]  }
0x89: {  	s1 =	sld [smem:$0x3FFE];
	_ =	sdelay $0x3  }
0x8a: {  	s0 =	sadd.s32 s1, s0  }
0x8b: {  	[smem:$0x3FC6] =	sst s0  }
0x8c: {  	_ = 	snop  }
0x8d: {  	s0 =	sld [smem:$0x3FC9]  }
0x8e: {  	s16 =	sld [smem:$0x3FD0];
	(tm) =	ssettm $0x1  }
0x8f: {  	s2 =	sld [smem:$0x3FFB];
	_ =	sdelay $0x3  }
0x90: {  	_ =	strace s2  }
0x91: {  	s2 =	sld [smem:$0x3FFC];
	_ =	sdelay $0x3  }
0x92: {  	_ =	strace s2  }
0x93: {  	s2 =	sld [smem:$0x3FFD];
	_ =	sdelay $0x3  }
0x94: {  	_ =	strace s2  }
0x95: {  	_ =	strace $0x8FFFFFFF  }
0x96: {  	s17 =	sld [smem:$0x3FDB];
	_ =	sdelay $0x1  }
0x97: {  	s3 =	simm.s32 $_scs_section_size  }
0x98: {  	s4 =	simm.s32 $_size__tile_overlayer_lowered;
	s5 =	simm.s32 $_tile_overlayer_lowered  }
0x99: {  	s20 =	simm.s32 $0x1BFF;
	s19 =	sshll.u32 s5, $0x1;
	s2 =	sadd.s32 s3, s17  }
0x9a: {  	s6 =	simm.s32 $0x0;
	s18 =	sshll.u32 s4, $0x1;
	s4 =	sadd.s32 s19, s2  }
0x9b: {  	[timem:s6], [sflag:s20] =	dma.local [hbm:s4], s18  }
0x9c: {  	_ =	swait.ge [sflag:s20], s18  }
0x9d: {  	s3 =	ssub.s32 $0x0, s18;
	[sflag:s20] =	ssyncset.done $0x0  }
0x9e: {  	[sflag:s20] =	ssyncadd.s32 s3;
	_ =	sdelay $0x1  }
0x9f: {  	s21 =	simm.s32 $0x1B8B  }
0xa0: {  	_ =	swait.ge [sflag:s21], $0x1  }
0xa1: {  	[sflag:s21] =	ssyncset.done $0x0  }
0xa2: {  	s23 =	simm.s32 $0x1B8E;
	s22 =	sld [smem:$0x3FFE];
	[sflag:s21] =	ssyncadd.s32 $0xFFFFFFFF  }
0xa3: {  	s24 =	simm.s32 $execute0_lowered;
	[smem:$0x3FD2] =	sst s23  }
0xa4: {  	s4 =	sshll.u32 s24, $0x1;
	_ =	strace $0x80000046;
	[dreg:$0x1] =	wrdreg $0xFFFFFFFF  }
0xa5: {  	s25 =	simm.s32 $_size_execute0_lowered;
	s2 =	sadd.s32 s2, s4;
	[dreg:$0x0] =	wrdreg $0x0  }
0xa6: {  	s4 =	sshll.u32 s25, $0x1;
	[dreg:$0x2] =	wrdreg s2  }
0xa7: {  	[dreg:$0x3] =	wrdreg s4  }
0xa8: {  	[dreg:$0x4] =	wrdreg $0xC0  }
0xa9: {  	_ =	task [dreg:s6], $0x5FFFF  }
0xaa: {  	[dreg:$0x1] =	wrdreg $0xFFFFFFFF  }
0xab: {  	[dreg:$0x0] =	wrdreg $0x60  }
0xac: {  	[dreg:$0x2] =	wrdreg s0  }
0xad: {  	[dreg:$0x3] =	wrdreg s22  }
0xae: {  	[dreg:$0x4] =	wrdreg s16  }
0xaf: {  	[dreg:$0x5] =	wrdreg $0x9  }
0xb0: {  	_ =	task.clear_ibuf [dreg:s6], $0x6FFFF;
	_ =	strace $0x90000046  }
0xb1: {  	s26 =	simm.s32 $0x9;
	_ =	strace $0x80000048  }
0xb2: {  	_ =	swait.ge [sflag:s26], $0x1  }
0xb3: {  	[sflag:s26] =	ssyncadd.s32 $0xFFFFFFFF  }
0xb4: {  	_ =	strace $0x90000048  }
0xb5: {  	_ =	sfence  }
0xb6: {  	s28 =	sld [smem:$0x0];
	_ =	sdelay $0x1  }
0xb7: {  	s29 =	srdreg.scid  }
0xb8: {  	s30 =	sshll.u32 s29, $0xD;
	s31 =	sshrl.u32 s29, $0x2  }
0xb9: {  	s1 =	sand.u32 $0x1, s29;
	s2 =	sand.u32 $0x4000, s30;
	s0 =	sadd.s32 s31, s28  }
0xba: {  	s1 =	sor.u32 s2, s1;
	s0 =	sshll.u32 s0, $0x11  }
0xbb: {  	s0 =	sor.u32 s0, s1  }
0xbc: {  	s0 =	sadd.s32 $0x8F2B, s0  }
0xbd: {  	[sflag:s0] =	ssyncadd.remote.s32 $0x1  }
0xbe: {  	_ =	sfence.sel $0xFFFF  }
0xbf: {  	[dreg:$0x0] =	wrdreg $0xFFFFFFFF;
	(pc) =	sbr.abs _section_cstart, $3  }
0xc0: {  	[dreg:$0x1] =	wrdreg $0xFFFFFFFF  }
0xc1: {  	_ =	task.clear_ibuf [dreg:s6], $0x2FFFF;
	_ =	strace $0x9FFFFFFF  }
0xc2: {  	(tm) =	ssettm $0x7FFFFFFF  }
0xc3: {  	_ =	shalt  }
tec
execute0_lowered:
.L_overlay_start_1:
0x0: {  	(tag) =	ssettag $0x1  }
0x1: {  	s3 =	rddreg [dreg:$0x0]  }
0x2: {  	s4 =	rddreg [dreg:$0x1]  }
0x3: {  	s2 =	rddreg [dreg:$0x2]  }
0x4: {  	s0 =	rddreg [dreg:$0x3];
	s5 =	simm.s32 $0x0  }
0x5: {  	s1 =	stileid.u32;
	v20 =	vlaneseq.u32;
	[smem:$0x7FF] =	sst s5  }
0x6: {  	s4 =	sadd.s32 $0x400, s4;
	s6 =	sshll.u32 s1, $0x7;
	v0 =	vand.u32 $0x7, v20;
	_ =	strace $0x80000047  }
0x7: {  	v15 =	vmul.u32 $0x18, v0;
	[tilespmem:s5], [sflag:$0x1] =	stream.linear.gather [hbm4b:s4+s5], $0xC0, $0x38;
	[tilespmem:$0x64C0] =	vst v63  }
0x8: {  	s31 =	simm.s32 $0x1;
	s30 =	sadd.s32 s3, s6;
	s3 =	simm.s32 $0xC0  }
0x9: {  	v1 =	vor.u32 $0x1, v15;
	[tilespmem:s3], [sflag:$0x1] =	stream.linear.gather [hbm4b:s30+s5], $0x400, $0x38;
	[tilespmem:$0x64C0] =	vst v63  }
0xa: {  	v2 =	vor.u32 $0x2, v15;
	_ =	swait.ge [sflag:s31], $0xC0  }
0xb: {  	v3 =	vor.u32 $0x3, v15;
	[sflag:s31] =	ssyncset.done $0x0  }
0xc: {  	v4 =	vor.u32 $0x4, v15;
	[sflag:s31] =	ssyncadd.s32 $0xFFFFFF40  }
0xd: {  	v5 =	vor.u32 $0x5, v15;
	v0 =	vld.idx.msk [tilespmem:v15+s5+$0x0], $0xffff  }
0xe: {  	v6 =	vor.u32 $0x6, v15;
	v1 =	vld.idx.msk [tilespmem:v1+s5+$0x0], $0xffff  }
0xf: {  	v7 =	vor.u32 $0x7, v15;
	v2 =	vld.idx.msk [tilespmem:v2+s5+$0x0], $0xffff  }
0x10: {  	v8 =	vadd.s32 $0x8, v15;
	v3 =	vld.idx.msk [tilespmem:v3+s5+$0x0], $0xffff  }
0x11: {  	v9 =	vadd.s32 $0x9, v15;
	v4 =	vld.idx.msk [tilespmem:v4+s5+$0x0], $0xffff  }
0x12: {  	v10 =	vadd.s32 $0xA, v15;
	v5 =	vld.idx.msk [tilespmem:v5+s5+$0x0], $0xffff  }
0x13: {  	v11 =	vadd.s32 $0xB, v15;
	v6 =	vld.idx.msk [tilespmem:v6+s5+$0x0], $0xffff  }
0x14: {  	v12 =	vadd.s32 $0xC, v15;
	v7 =	vld.idx.msk [tilespmem:v7+s5+$0x0], $0xffff  }
0x15: {  	v13 =	vadd.s32 $0xD, v15;
	v8 =	vld.idx.msk [tilespmem:v8+s5+$0x0], $0xffff  }
0x16: {  	v14 =	vadd.s32 $0xE, v15;
	v9 =	vld.idx.msk [tilespmem:v9+s5+$0x0], $0xffff  }
0x17: {  	v16 =	vadd.s32 $0xF, v15;
	v10 =	vld.idx.msk [tilespmem:v10+s5+$0x0], $0xffff  }
0x18: {  	v17 =	vadd.s32 $0x10, v15;
	v11 =	vld.idx.msk [tilespmem:v11+s5+$0x0], $0xffff  }
0x19: {  	v18 =	vadd.s32 $0x11, v15;
	v12 =	vld.idx.msk [tilespmem:v12+s5+$0x0], $0xffff  }
0x1a: {  	v19 =	vadd.s32 $0x12, v15;
	v13 =	vld.idx.msk [tilespmem:v13+s5+$0x0], $0xffff  }
0x1b: {  	v21 =	vadd.s32 $0x13, v15;
	v14 =	vld.idx.msk [tilespmem:v14+s5+$0x0], $0xffff  }
0x1c: {  	v15 =	vld.idx.msk [tilespmem:v16+s5+$0x0], $0xffff  }
0x1d: {  	v16 =	vld.idx.msk [tilespmem:v17+s5+$0x0], $0xffff  }
0x1e: {  	v17 =	vld.idx.msk [tilespmem:v18+s5+$0x0], $0xffff  }
0x1f: {  	v18 =	vld.idx.msk [tilespmem:v19+s5+$0x0], $0xffff  }
0x20: {  	v19 =	vld.idx.msk [tilespmem:v21+s5+$0x0], $0xffff;
	_ =	swait.ge [sflag:s31], $0x400  }
0x21: {  	[sflag:s31] =	ssyncset.done $0x0  }
0x22: {  	[sflag:s31] =	ssyncadd.s32 $0xFFFFFC00  }
0x23: {  	v21 =	vmov s5;
	v24 =	vld [tilespmem:s3+$0x0]  }
0x24: {  	v21 =	vmul.u32 $0x18, v21;
	_ =	sdelay $0x1  }
0x25: {  	v20 =	vmul.u32 $0x18, v20;
	v40 =	vbroadcast v21, $0x0;
	_ =	sdelay $0x1  }
0x26: {  	v21 =	vor.u32 $0x1, v20;
	v27 =	vadd.s32 v20, v40;
	v23 =	vshrl.u32 v24, $0x1B  }
0x27: {  	v22 =	vor.u32 $0x2, v20;
	v28 =	vadd.s32 v21, v40;
	v25 =	vand.u32 $0x10, v23  }
0x28: {  	v29 =	vadd.s32 v22, v40;
	v23 =	vor.u32 $0x3, v20;
	v41 =	vadd.s32 v24, v25  }
0x29: {  	v24 =	vor.u32 $0x4, v20;
	v31 =	vadd.s32 v23, v40;
	v30 =	vperm.xlane v0, v41  }
0x2a: {  	s4 =	simm.s32 $0x4C0;
	v25 =	vor.u32 $0x5, v20;
	v32 =	vperm.xlane v1, v41;
	v33 =	vadd.s32 v24, v40  }
0x2b: {  	v26 =	vor.u32 $0x6, v20;
	v34 =	vadd.s32 v25, v40;
	[tilespmem:v27+s4+$0x0] =	vst.idx.msk $0xffff, v30;
	v30 =	vperm.xlane v2, v41  }
0x2c: {  	v35 =	vadd.s32 v26, v40;
	v46 =	vperm.xlane v3, v41;
	v27 =	vor.u32 $0x7, v20;
	[tilespmem:v28+s4+$0x0] =	vst.idx.msk $0xffff, v32  }
0x2d: {  	v36 =	vperm.xlane v4, v41;
	v28 =	vadd.s32 $0x8, v20;
	v37 =	vadd.s32 v27, v40;
	[tilespmem:v29+s4+$0x0] =	vst.idx.msk $0xffff, v30  }
0x2e: {  	v47 =	vperm.xlane v5, v41;
	v29 =	vadd.s32 $0x9, v20;
	v38 =	vadd.s32 v28, v40;
	[tilespmem:v31+s4+$0x0] =	vst.idx.msk $0xffff, v46  }
0x2f: {  	v48 =	vperm.xlane v6, v41;
	v30 =	vadd.s32 $0xA, v20;
	v49 =	vadd.s32 v29, v40;
	[tilespmem:v33+s4+$0x0] =	vst.idx.msk $0xffff, v36  }
0x30: {  	v50 =	vperm.xlane v7, v41;
	v31 =	vadd.s32 $0xB, v20;
	v39 =	vadd.s32 v30, v40;
	[tilespmem:v34+s4+$0x0] =	vst.idx.msk $0xffff, v47  }
0x31: {  	v51 =	vperm.xlane v8, v41;
	v32 =	vadd.s32 $0xC, v20;
	v42 =	vadd.s32 v31, v40;
	[tilespmem:v35+s4+$0x0] =	vst.idx.msk $0xffff, v48  }
0x32: {  	v52 =	vperm.xlane v9, v41;
	v43 =	vadd.s32 v32, v40;
	v33 =	vadd.s32 $0xD, v20;
	[tilespmem:v37+s4+$0x0] =	vst.idx.msk $0xffff, v50  }
0x33: {  	v53 =	vperm.xlane v10, v41;
	v34 =	vadd.s32 $0xE, v20;
	v44 =	vadd.s32 v33, v40;
	[tilespmem:v38+s4+$0x0] =	vst.idx.msk $0xffff, v51  }
0x34: {  	v45 =	vperm.xlane v11, v41;
	v35 =	vadd.s32 $0xF, v20;
	v46 =	vadd.s32 v34, v40;
	[tilespmem:v49+s4+$0x0] =	vst.idx.msk $0xffff, v52  }
0x35: {  	v54 =	vperm.xlane v12, v41;
	v36 =	vadd.s32 $0x10, v20;
	v47 =	vadd.s32 v35, v40;
	[tilespmem:v39+s4+$0x0] =	vst.idx.msk $0xffff, v53  }
0x36: {  	v55 =	vperm.xlane v13, v41;
	v56 =	vadd.s32 v36, v40;
	v37 =	vadd.s32 $0x11, v20;
	[tilespmem:v42+s4+$0x0] =	vst.idx.msk $0xffff, v45  }
0x37: {  	v57 =	vperm.xlane v14, v41;
	v38 =	vadd.s32 $0x12, v20;
	v58 =	vadd.s32 v37, v40;
	[tilespmem:v43+s4+$0x0] =	vst.idx.msk $0xffff, v54  }
0x38: {  	v59 =	vperm.xlane v15, v41;
	v60 =	vadd.s32 v38, v40;
	[tilespmem:v44+s4+$0x0] =	vst.idx.msk $0xffff, v55  }
0x39: {  	v61 =	vperm.xlane v16, v41;
	v39 =	vadd.s32 $0x13, v20;
	[tilespmem:v46+s4+$0x0] =	vst.idx.msk $0xffff, v57  }
0x3a: {  	v62 =	vperm.xlane v17, v41;
	v40 =	vadd.s32 v39, v40;
	[tilespmem:v47+s4+$0x0] =	vst.idx.msk $0xffff, v59  }
0x3b: {  	v63 =	vperm.xlane v18, v41;
	[tilespmem:v56+s4+$0x0] =	vst.idx.msk $0xffff, v61  }
0x3c: {  	[tilespmem:v58+s4+$0x0] =	vst.idx.msk $0xffff, v62  }
0x3d: {  	s5 =	simm.s32 $0x10;
	v41 =	vperm.xlane v19, v41;
	[tilespmem:v60+s4+$0x0] =	vst.idx.msk $0xffff, v63  }
.LBB2_1:
0x3e: {  	p0 =	sne.s32 s5, $0x1F0  }
0x3f: {  	[tilespmem:v40+s4+$0x0] =	vst.idx.msk $0xffff, v41;
	s3 =	sadd.s32 $0x10, s3;
	s6 =	smov.u32 s5;
	s5 =	sadd.s32 $0x10, s5  }
0x40: {  	v40 =	vld [tilespmem:s3+$0x0];
	v41 =	vmov s6  }
0x41: {  	v41 =	vmul.u32 $0x18, v41;
	_ =	sdelay $0x1  }
0x42: {  	v41 =	vbroadcast v41, $0x0;
	_ =	sdelay $0x1  }
0x43: {  	v42 =	vshrl.u32 v40, $0x1B;
	v43 =	vadd.s32 v20, v41  }
0x44: {  	v44 =	vadd.s32 v21, v41;
	v42 =	vand.u32 $0x10, v42  }
0x45: {  	v42 =	vadd.s32 v40, v42;
	v40 =	vadd.s32 v22, v41  }
0x46: {  	v46 =	vadd.s32 v23, v41;
	v45 =	vperm.xlane v0, v42  }
0x47: {  	v48 =	vadd.s32 v24, v41;
	v47 =	vperm.xlane v1, v42  }
0x48: {  	[tilespmem:v43+s4+$0x0] =	vst.idx.msk $0xffff, v45;
	v43 =	vperm.xlane v2, v42;
	v45 =	vadd.s32 v25, v41  }
0x49: {  	[tilespmem:v44+s4+$0x0] =	vst.idx.msk $0xffff, v47;
	v44 =	vperm.xlane v3, v42;
	v47 =	vadd.s32 v26, v41  }
0x4a: {  	[tilespmem:v40+s4+$0x0] =	vst.idx.msk $0xffff, v43;
	v40 =	vperm.xlane v4, v42;
	v43 =	vadd.s32 v27, v41  }
0x4b: {  	[tilespmem:v46+s4+$0x0] =	vst.idx.msk $0xffff, v44;
	v44 =	vperm.xlane v5, v42;
	v46 =	vadd.s32 v28, v41  }
0x4c: {  	[tilespmem:v48+s4+$0x0] =	vst.idx.msk $0xffff, v40;
	v40 =	vperm.xlane v6, v42;
	v48 =	vadd.s32 v29, v41  }
0x4d: {  	[tilespmem:v45+s4+$0x0] =	vst.idx.msk $0xffff, v44;
	v44 =	vperm.xlane v7, v42;
	v45 =	vadd.s32 v30, v41  }
0x4e: {  	[tilespmem:v47+s4+$0x0] =	vst.idx.msk $0xffff, v40;
	v40 =	vperm.xlane v8, v42;
	v47 =	vadd.s32 v31, v41  }
0x4f: {  	[tilespmem:v43+s4+$0x0] =	vst.idx.msk $0xffff, v44;
	v43 =	vperm.xlane v9, v42;
	v44 =	vadd.s32 v32, v41  }
0x50: {  	[tilespmem:v46+s4+$0x0] =	vst.idx.msk $0xffff, v40;
	v40 =	vperm.xlane v10, v42;
	v46 =	vadd.s32 v33, v41  }
0x51: {  	[tilespmem:v48+s4+$0x0] =	vst.idx.msk $0xffff, v43;
	v43 =	vperm.xlane v11, v42;
	v48 =	vadd.s32 v34, v41  }
0x52: {  	[tilespmem:v45+s4+$0x0] =	vst.idx.msk $0xffff, v40;
	v40 =	vperm.xlane v12, v42;
	v45 =	vadd.s32 v35, v41  }
0x53: {  	[tilespmem:v47+s4+$0x0] =	vst.idx.msk $0xffff, v43;
	v43 =	vperm.xlane v13, v42;
	v47 =	vadd.s32 v36, v41  }
0x54: {  	[tilespmem:v44+s4+$0x0] =	vst.idx.msk $0xffff, v40;
	v40 =	vperm.xlane v14, v42;
	v44 =	vadd.s32 v37, v41  }
0x55: {  	[tilespmem:v46+s4+$0x0] =	vst.idx.msk $0xffff, v43;
	v43 =	vperm.xlane v15, v42;
	v46 =	vadd.s32 v38, v41  }
.Ltmp0:
0x56: {  	[tilespmem:v48+s4+$0x0] =	vst.idx.msk $0xffff, v40;
	v48 =	vperm.xlane v16, v42;
	v40 =	vadd.s32 v39, v41;
	(pc) =	sbr.rel @p0 .LBB2_1-.Ltmp0, $4  }
0x57: {  	v41 =	vperm.xlane v17, v42;
	[tilespmem:v45+s4+$0x0] =	vst.idx.msk $0xffff, v43  }
0x58: {  	v43 =	vperm.xlane v18, v42;
	[tilespmem:v47+s4+$0x0] =	vst.idx.msk $0xffff, v48  }
0x59: {  	[tilespmem:v44+s4+$0x0] =	vst.idx.msk $0xffff, v41;
	v41 =	vperm.xlane v19, v42  }
0x5a: {  	[tilespmem:v46+s4+$0x0] =	vst.idx.msk $0xffff, v43  }
0x5b: {  	_ =	sdelay $0x1  }
0x5c: {  	s3 =	smul.u32 $0xC00, s1  }
0x5d: {  	s5 =	simm.s32 $0x0;
	s31 =	simm.s32 $0x200  }
0x5e: {  	[tilespmem:v40+s4+$0x0] =	vst.idx.msk $0xffff, v41;
	s4 =	simm.s32 $0x2C0;
	s30 =	sadd.s32 s2, s3;
	s3 =	simm.s32 $0x4C0  }
0x5f: {  	[hbm4b:s30+s5] =	stream.linear.scatter [tilespmem:s3], [sflag:$0x2], $0x3000, $0x38;
	[tilespmem:$0x64C0] =	vst v63  }
0x60: {  	v20 =	vmov s31;
	v24 =	vld [tilespmem:s4+$0x0]  }
0x61: {  	v21 =	vmul.u32 $0x18, v20  }
0x62: {  	v20 =	vlaneseq.u32  }
0x63: {  	v20 =	vmul.u32 $0x18, v20;
	v40 =	vbroadcast v21, $0x0;
	_ =	sdelay $0x1  }
0x64: {  	v21 =	vor.u32 $0x1, v20;
	v27 =	vadd.s32 v20, v40;
	v23 =	vshrl.u32 v24, $0x1B  }
0x65: {  	v22 =	vor.u32 $0x2, v20;
	v28 =	vadd.s32 v21, v40;
	v25 =	vand.u32 $0x10, v23  }
0x66: {  	v29 =	vadd.s32 v22, v40;
	v23 =	vor.u32 $0x3, v20;
	v41 =	vadd.s32 v24, v25  }
0x67: {  	v24 =	vor.u32 $0x4, v20;
	v31 =	vadd.s32 v23, v40;
	v30 =	vperm.xlane v0, v41  }
0x68: {  	v25 =	vor.u32 $0x5, v20;
	v32 =	vperm.xlane v1, v41;
	v33 =	vadd.s32 v24, v40  }
0x69: {  	v26 =	vor.u32 $0x6, v20;
	v34 =	vadd.s32 v25, v40;
	[tilespmem:v27+s3+$0x0] =	vst.idx.msk $0xffff, v30;
	v30 =	vperm.xlane v2, v41  }
0x6a: {  	v35 =	vadd.s32 v26, v40;
	v46 =	vperm.xlane v3, v41;
	v27 =	vor.u32 $0x7, v20;
	[tilespmem:v28+s3+$0x0] =	vst.idx.msk $0xffff, v32  }
0x6b: {  	v36 =	vperm.xlane v4, v41;
	v28 =	vadd.s32 $0x8, v20;
	v37 =	vadd.s32 v27, v40;
	[tilespmem:v29+s3+$0x0] =	vst.idx.msk $0xffff, v30  }
0x6c: {  	v47 =	vperm.xlane v5, v41;
	v29 =	vadd.s32 $0x9, v20;
	v38 =	vadd.s32 v28, v40;
	[tilespmem:v31+s3+$0x0] =	vst.idx.msk $0xffff, v46  }
0x6d: {  	v48 =	vperm.xlane v6, v41;
	v30 =	vadd.s32 $0xA, v20;
	v49 =	vadd.s32 v29, v40;
	[tilespmem:v33+s3+$0x0] =	vst.idx.msk $0xffff, v36  }
0x6e: {  	v50 =	vperm.xlane v7, v41;
	v31 =	vadd.s32 $0xB, v20;
	v39 =	vadd.s32 v30, v40;
	[tilespmem:v34+s3+$0x0] =	vst.idx.msk $0xffff, v47  }
0x6f: {  	v51 =	vperm.xlane v8, v41;
	v32 =	vadd.s32 $0xC, v20;
	v42 =	vadd.s32 v31, v40;
	[tilespmem:v35+s3+$0x0] =	vst.idx.msk $0xffff, v48  }
0x70: {  	v52 =	vperm.xlane v9, v41;
	v43 =	vadd.s32 v32, v40;
	v33 =	vadd.s32 $0xD, v20;
	[tilespmem:v37+s3+$0x0] =	vst.idx.msk $0xffff, v50  }
0x71: {  	v53 =	vperm.xlane v10, v41;
	v34 =	vadd.s32 $0xE, v20;
	v44 =	vadd.s32 v33, v40;
	[tilespmem:v38+s3+$0x0] =	vst.idx.msk $0xffff, v51  }
0x72: {  	v45 =	vperm.xlane v11, v41;
	v35 =	vadd.s32 $0xF, v20;
	v46 =	vadd.s32 v34, v40;
	[tilespmem:v49+s3+$0x0] =	vst.idx.msk $0xffff, v52  }
0x73: {  	v54 =	vperm.xlane v12, v41;
	v36 =	vadd.s32 $0x10, v20;
	v47 =	vadd.s32 v35, v40;
	[tilespmem:v39+s3+$0x0] =	vst.idx.msk $0xffff, v53  }
0x74: {  	v55 =	vperm.xlane v13, v41;
	v56 =	vadd.s32 v36, v40;
	v37 =	vadd.s32 $0x11, v20;
	[tilespmem:v42+s3+$0x0] =	vst.idx.msk $0xffff, v45  }
0x75: {  	v57 =	vperm.xlane v14, v41;
	v38 =	vadd.s32 $0x12, v20;
	v58 =	vadd.s32 v37, v40;
	[tilespmem:v43+s3+$0x0] =	vst.idx.msk $0xffff, v54  }
0x76: {  	v59 =	vperm.xlane v15, v41;
	v60 =	vadd.s32 v38, v40;
	[tilespmem:v44+s3+$0x0] =	vst.idx.msk $0xffff, v55  }
0x77: {  	v61 =	vperm.xlane v16, v41;
	v39 =	vadd.s32 $0x13, v20;
	[tilespmem:v46+s3+$0x0] =	vst.idx.msk $0xffff, v57  }
0x78: {  	v62 =	vperm.xlane v17, v41;
	v40 =	vadd.s32 v39, v40;
	[tilespmem:v47+s3+$0x0] =	vst.idx.msk $0xffff, v59  }
0x79: {  	v63 =	vperm.xlane v18, v41;
	[tilespmem:v56+s3+$0x0] =	vst.idx.msk $0xffff, v61  }
0x7a: {  	[tilespmem:v58+s3+$0x0] =	vst.idx.msk $0xffff, v62  }
0x7b: {  	s5 =	simm.s32 $0x210;
	v41 =	vperm.xlane v19, v41;
	[tilespmem:v60+s3+$0x0] =	vst.idx.msk $0xffff, v63  }
.LBB2_3:
0x7c: {  	p0 =	sne.s32 s5, $0x3F0  }
0x7d: {  	[tilespmem:v40+s3+$0x0] =	vst.idx.msk $0xffff, v41;
	s4 =	sadd.s32 $0x10, s4;
	s6 =	smov.u32 s5;
	s5 =	sadd.s32 $0x10, s5  }
0x7e: {  	v40 =	vld [tilespmem:s4+$0x0];
	v41 =	vmov s6  }
0x7f: {  	v41 =	vmul.u32 $0x18, v41;
	_ =	sdelay $0x1  }
0x80: {  	v41 =	vbroadcast v41, $0x0;
	_ =	sdelay $0x1  }
0x81: {  	v42 =	vshrl.u32 v40, $0x1B;
	v43 =	vadd.s32 v20, v41  }
0x82: {  	v44 =	vadd.s32 v21, v41;
	v42 =	vand.u32 $0x10, v42  }
0x83: {  	v42 =	vadd.s32 v40, v42;
	v40 =	vadd.s32 v22, v41  }
0x84: {  	v46 =	vadd.s32 v23, v41;
	v45 =	vperm.xlane v0, v42  }
0x85: {  	v48 =	vadd.s32 v24, v41;
	v47 =	vperm.xlane v1, v42  }
0x86: {  	[tilespmem:v43+s3+$0x0] =	vst.idx.msk $0xffff, v45;
	v43 =	vperm.xlane v2, v42;
	v45 =	vadd.s32 v25, v41  }
0x87: {  	[tilespmem:v44+s3+$0x0] =	vst.idx.msk $0xffff, v47;
	v44 =	vperm.xlane v3, v42;
	v47 =	vadd.s32 v26, v41  }
0x88: {  	[tilespmem:v40+s3+$0x0] =	vst.idx.msk $0xffff, v43;
	v40 =	vperm.xlane v4, v42;
	v43 =	vadd.s32 v27, v41  }
0x89: {  	[tilespmem:v46+s3+$0x0] =	vst.idx.msk $0xffff, v44;
	v44 =	vperm.xlane v5, v42;
	v46 =	vadd.s32 v28, v41  }
0x8a: {  	[tilespmem:v48+s3+$0x0] =	vst.idx.msk $0xffff, v40;
	v40 =	vperm.xlane v6, v42;
	v48 =	vadd.s32 v29, v41  }
0x8b: {  	[tilespmem:v45+s3+$0x0] =	vst.idx.msk $0xffff, v44;
	v44 =	vperm.xlane v7, v42;
	v45 =	vadd.s32 v30, v41  }
0x8c: {  	[tilespmem:v47+s3+$0x0] =	vst.idx.msk $0xffff, v40;
	v40 =	vperm.xlane v8, v42;
	v47 =	vadd.s32 v31, v41  }
0x8d: {  	[tilespmem:v43+s3+$0x0] =	vst.idx.msk $0xffff, v44;
	v43 =	vperm.xlane v9, v42;
	v44 =	vadd.s32 v32, v41  }
0x8e: {  	[tilespmem:v46+s3+$0x0] =	vst.idx.msk $0xffff, v40;
	v40 =	vperm.xlane v10, v42;
	v46 =	vadd.s32 v33, v41  }
0x8f: {  	[tilespmem:v48+s3+$0x0] =	vst.idx.msk $0xffff, v43;
	v43 =	vperm.xlane v11, v42;
	v48 =	vadd.s32 v34, v41  }
0x90: {  	[tilespmem:v45+s3+$0x0] =	vst.idx.msk $0xffff, v40;
	v40 =	vperm.xlane v12, v42;
	v45 =	vadd.s32 v35, v41  }
0x91: {  	[tilespmem:v47+s3+$0x0] =	vst.idx.msk $0xffff, v43;
	v43 =	vperm.xlane v13, v42;
	v47 =	vadd.s32 v36, v41  }
0x92: {  	[tilespmem:v44+s3+$0x0] =	vst.idx.msk $0xffff, v40;
	v40 =	vperm.xlane v14, v42;
	v44 =	vadd.s32 v37, v41  }
0x93: {  	[tilespmem:v46+s3+$0x0] =	vst.idx.msk $0xffff, v43;
	v43 =	vperm.xlane v15, v42;
	v46 =	vadd.s32 v38, v41  }
.Ltmp1:
0x94: {  	[tilespmem:v48+s3+$0x0] =	vst.idx.msk $0xffff, v40;
	v48 =	vperm.xlane v16, v42;
	v40 =	vadd.s32 v39, v41;
	(pc) =	sbr.rel @p0 .LBB2_3-.Ltmp1, $4  }
0x95: {  	v41 =	vperm.xlane v17, v42;
	[tilespmem:v45+s3+$0x0] =	vst.idx.msk $0xffff, v43  }
0x96: {  	v43 =	vperm.xlane v18, v42;
	[tilespmem:v47+s3+$0x0] =	vst.idx.msk $0xffff, v48  }
0x97: {  	[tilespmem:v44+s3+$0x0] =	vst.idx.msk $0xffff, v41;
	v41 =	vperm.xlane v19, v42  }
0x98: {  	[tilespmem:v46+s3+$0x0] =	vst.idx.msk $0xffff, v43  }
0x99: {  	s4 =	smul.u32 $0x6000, s1;
	_ =	sdelay $0x1  }
0x9a: {  	s4 =	sshrl.u32 s4, $0x3  }
0x9b: {  	s29 =	simm.s32 $0x0;
	s2 =	sadd.s32 s2, s4  }
0x9c: {  	[tilespmem:v40+s3+$0x0] =	vst.idx.msk $0xffff, v41;
	s30 =	simm.s32 $0x34C0;
	s31 =	simm.s32 $0x2;
	s2 =	sadd.s32 $0x600, s2  }
0x9d: {  	[hbm4b:s2+s29] =	stream.linear.scatter [tilespmem:s30], [sflag:$0x2], $0x3000, $0x38;
	[tilespmem:$0x64C0] =	vst v63  }
0x9e: {  	_ =	swait.ge [sflag:s31], $0x3000  }
0x9f: {  	[sflag:s31] =	ssyncset.done $0x0  }
0xa0: {  	[sflag:s31] =	ssyncadd.s32 $0xFFFFD000  }
0xa1: {  	_ =	swait.ge [sflag:s31], $0x3000  }
0xa2: {  	[sflag:s31] =	ssyncset.done $0x0  }
0xa3: {  	[sflag:s31] =	ssyncadd.s32 $0xFFFFD000  }
0xa4: {  	_ =	sfence.sel $0x180000  }
0xa5: {  	[bflag:$0x0] =	sbarrier.arrive $0xFFFF  }
0xa6: {  	p0 =	sne.s32 s1, $0x0;
	_ =	strace $0x90000047  }
0xa7: {  	s0 =	sadd.s32 @!p0 $0x100000, s0;
	[bflag:$0x2] =	sbarrier.arrive $0xFFFF  }
0xa8: {  	[sflag:s0] =	ssyncadd.tile.s32 @!p0 $0x1;
	_ =	shalt  }
.Lfunc_end2:
_tile_overlayer_lowered:
.L_overlay_start_2:
0xa9: {  	(tag) =	ssettag $0x2  }
0xaa: {  	s0 =	rddreg [dreg:$0x0];
	s2 =	stileid.u32  }
0xab: {  	s1 =	rddreg [dreg:$0x1];
	p0 =	sne.s32 s2, $0x0  }
0xac: {  	s3 =	rddreg [dreg:$0x2];
	[bflag:$0x3] =	sbarrier.arrive $0xFFFF;
	s2 =	simm.s32 @!p0 $0x1C03  }
0xad: {  	[timem:s3], [sflag:s2] =	dma.local @!p0 [hbm:s0], s1  }
0xae: {  	s0 =	simm.s32 @!p0 $0x3  }
0xaf: {  	_ =	swait.ge @!p0 [sflag:s0], s1  }
0xb0: {  	s1 =	ssub.s32 @!p0 $0x0, s1;
	[sflag:s0] =	ssyncset.done @!p0 $0x0  }
0xb1: {  	[sflag:s0] =	ssyncadd.s32 @!p0 s1  }
0xb2: {  	[bflag:$0x3] =	sbarrier.arrive $0xFFFF  }
0xb3: {  	_ =	shalt  }

</sc_bundles>
